<compile_context>
chip_gen: v7x
topology: tpu7x:2x2x1
jax: 0.10.2.dev20260603
libtpu: 0.0.44.dev20260713+nightly
codegen_flags: <defaults>
</compile_context>

<pallas_src>
import functools
import math

import jax
import jax.numpy as jnp
from jax import lax
from jax.experimental import pallas as pl
from jax.experimental.pallas import tpu as pltpu
from jax.experimental.pallas import tpu_sc as plsc

_SMOOTHING = 0.1
_CONF = 1.0 - _SMOOTHING

_NC = 2
_NS = 16
_NW = _NC * _NS
_L = 16

_CLS_PER_BLOCK = 5000


def _sc_gather_body(xt_hbm, tgt_hbm, tiles_hbm, tgt_v, tiles_v, sem,
                    *, rows_per_worker):
    wid = lax.axis_index("s") * _NC + lax.axis_index("c")
    base = wid * rows_per_worker
    pltpu.sync_copy(tgt_hbm.at[pl.ds(base, rows_per_worker)], tgt_v)
    copies = []
    for r in range(rows_per_worker):
        if r % _L == 0:
            tvec = tgt_v[pl.ds(r, _L)]
        c0 = pl.multiple_of(jnp.bitwise_and(tvec[r % _L], ~7), 8)
        b0 = pl.multiple_of(jnp.bitwise_and(base + r, ~127), 128)
        copies.append(pltpu.async_copy(
            xt_hbm.at[pl.ds(c0, 8), pl.ds(b0, 128)], tiles_v.at[r], sem))
    for cp in copies:
        cp.wait()
    pltpu.sync_copy(tiles_v, tiles_hbm.at[pl.ds(base, rows_per_worker)])


def _make_sc_gather(batch, num_classes):
    rows_per_worker = batch // _NW
    body = functools.partial(_sc_gather_body, rows_per_worker=rows_per_worker)
    return pl.kernel(
        body,
        out_type=jax.ShapeDtypeStruct((batch, 8, 128), jnp.float32),
        mesh=plsc.VectorSubcoreMesh(core_axis_name="c", subcore_axis_name="s"),
        scratch_types=[
            pltpu.VMEM((rows_per_worker,), jnp.int32),
            pltpu.VMEM((rows_per_worker, 8, 128), jnp.float32),
            pltpu.SemaphoreType.DMA,
        ],
    )


def _tc_loss_body(x_ref, tiles_ref, tgt_ref, out_ref, m_ref, se_ref, sx_ref,
                  *, coef_l, coef_s, coef_x, const_total, batch):
    i = pl.program_id(0)

    @pl.when(i == 0)
    def _init():
        m_ref[...] = jnp.full_like(m_ref[...], -jnp.inf)
        se_ref[...] = jnp.zeros_like(se_ref[...])
        sx_ref[...] = jnp.zeros_like(sx_ref[...])

    x = x_ref[...]
    m_old = m_ref[...]
    m_new = jnp.maximum(m_old, jnp.max(x, axis=0, keepdims=True))
    se_ref[...] = (se_ref[...] * jnp.exp(m_old - m_new)
                   + jnp.sum(jnp.exp(x - m_new), axis=0, keepdims=True))
    sx_ref[...] += jnp.sum(x, axis=0, keepdims=True)
    m_ref[...] = m_new

    @pl.when(i == pl.num_programs(0) - 1)
    def _fini():
        lse = m_ref[...] + jnp.log(se_ref[...])
        partial = coef_l * jnp.sum(lse) - coef_s * jnp.sum(sx_ref[...])
        t = tgt_ref[...].reshape(batch, 1, 1)
        b_ids = lax.broadcasted_iota(jnp.int32, (batch, 1, 1), 0)
        sub = lax.broadcasted_iota(jnp.int32, (batch, 8, 128), 1)
        lane = lax.broadcasted_iota(jnp.int32, (batch, 8, 128), 2)
        mask = ((sub == jnp.bitwise_and(t, 7))
                & (lane == jnp.bitwise_and(b_ids, 127)))
        xt_sum = jnp.sum(jnp.where(mask, tiles_ref[...], 0.0))
        val = (const_total + partial - coef_x * xt_sum) / batch
        out_ref[...] = jnp.full((1, 1), val, dtype=jnp.float32)


def kernel(output, target):
    batch, num_classes = output.shape
    s = _SMOOTHING / (num_classes - 1)
    coef_l = s * num_classes + (_CONF - s)
    coef_x = _CONF - s
    const_total = batch * ((num_classes - 1) * s * math.log(s)
                           + _CONF * math.log(_CONF))

    xt = output.T
    tgt32 = target.astype(jnp.int32)
    tiles = _make_sc_gather(batch, num_classes)(xt, tgt32)

    n_blocks = num_classes // _CLS_PER_BLOCK
    body = functools.partial(_tc_loss_body, coef_l=coef_l, coef_s=s,
                             coef_x=coef_x, const_total=const_total,
                             batch=batch)
    res = pl.pallas_call(
        body,
        grid=(n_blocks,),
        in_specs=[
            pl.BlockSpec((_CLS_PER_BLOCK, batch), lambda i: (i, 0)),
            pl.BlockSpec((batch, 8, 128), lambda i: (0, 0, 0)),
            pl.BlockSpec((batch, 1), lambda i: (0, 0)),
        ],
        out_specs=pl.BlockSpec((1, 1), lambda i: (0, 0)),
        out_shape=jax.ShapeDtypeStruct((1, 1), jnp.float32),
        compiler_params=pltpu.CompilerParams(vmem_limit_bytes=100 * 1024 * 1024),
        scratch_shapes=[
            pltpu.VMEM((1, batch), jnp.float32),
            pltpu.VMEM((1, batch), jnp.float32),
            pltpu.VMEM((1, batch), jnp.float32),
        ],
    )(xt, tiles, tgt32.reshape(batch, 1))
    return res[0, 0]

# --- scband reference (transcript-rebuilt; emitter-appended) ---
"""Pipeline reference for scband-label-smoothing-loss-58892591563039 (READ-ONLY COPY).

The authoritative reference and input builder live on the scoring server;
editing this copy changes nothing except your own understanding.
"""

import jax, jax.numpy as jnp
import numpy as np

CLASSES = 100000
SMOOTHING = 0.1
CONFIDENCE = 1.0 - SMOOTHING


def setup_inputs(seed: int = 0) -> dict:
    key = jax.random.key(seed)
    k1, k2 = jax.random.split(key)
    output = jax.random.normal(k1, (1024, CLASSES), dtype=jnp.float32)
    target = jax.random.randint(k2, (1024,), 0, CLASSES, dtype=jnp.int64 if jax.config.read('jax_enable_x64') else jnp.int32)
    return {"output": output, "target": target}


def reference(output, target):
    B = output.shape[0]
    # true_dist: smoothing/(cls-1) everywhere, confidence at target index
    true_dist = jnp.full(output.shape, SMOOTHING / (CLASSES - 1), dtype=output.dtype)
    rows = jnp.arange(B)
    true_dist = true_dist.at[rows, target].set(CONFIDENCE)
    log_probs = jax.nn.log_softmax(output, axis=-1)
    # KLDivLoss(reduction='batchmean'): sum(target * (log(target) - input)) / batch
    kl = true_dist * (jnp.log(true_dist) - log_probs)
    return jnp.sum(kl) / B

if __name__ == "__main__":
    import jax
    _d = setup_inputs()
    print(jax.jit(kernel)(*tuple(_d.values())))

</pallas_src>

<mosaic_0001>
#map = affine_map<(d0, d1) -> (0, 0)>
#map1 = affine_map<(d0, d1) -> (0)>
#map2 = affine_map<(d0, d1) -> (0, 0, 0)>
module attributes {stable_mosaic.version = 14 : i64} {
  func.func @_sc_gather_body(%arg0: i32, %arg1: i32, %arg2: memref<100000x1024xf32, #tpu.memory_space<hbm>>, %arg3: memref<1024xi32, #tpu.memory_space<hbm>>, %arg4: memref<1024x8x128xf32, #tpu.memory_space<hbm>>, %arg5: memref<32xi32, #tpu.memory_space<vmem>>, %arg6: memref<32x8x128xf32, #tpu.memory_space<vmem>>, %arg7: memref<!tpu.dma_semaphore, #tpu.memory_space<semaphore_mem>>) attributes {dimension_semantics = [#tpu.dimension_semantics<core_parallel>, #tpu.dimension_semantics<subcore_parallel>], iteration_bounds = array<i64: 2, 16>, scalar_prefetch = 0 : i64, scratch_operands = 3 : i64, tpu.core_type = #tpu.core_type<sc_vector_subcore>, window_params = [{transform_indices = #map}, {transform_indices = #map1}, {transform_indices = #map2}]} {
    %mul3A = arith.constant 2 : i32
    %mul3A_0 = arith.muli %arg1, %mul3A : i32
    %add3A = arith.addi %mul3A_0, %arg0 : i32
    %mul3A_1 = arith.constant 32 : i32
    %mul3A_2 = arith.muli %add3A, %mul3A_1 : i32
    "tpu.region"() ({
      %run_scoped3A = tpu.sem_alloc : memref<!tpu.dma_semaphore, #tpu.memory_space<semaphore_mem>>
      %dma_start3A_1026 = tpu.memref_slice %arg3[%mul3A_2] : memref<1024xi32, #tpu.memory_space<hbm>> -> memref<32xi32, #tpu.memory_space<hbm>>
      %dma_start3A_1027 = tpu.memref_slice %arg3[%mul3A_2] : memref<1024xi32, #tpu.memory_space<hbm>> -> memref<32xi32, #tpu.memory_space<hbm>>
      tpu.enqueue_dma source(%dma_start3A_1027 : memref<32xi32, #tpu.memory_space<hbm>>) target(%arg5 : memref<32xi32, #tpu.memory_space<vmem>>) target_semaphore(%run_scoped3A : memref<!tpu.dma_semaphore, #tpu.memory_space<semaphore_mem>>)
      %dma_wait3A_1028 = tpu.memref_slice %arg3[%mul3A_2] : memref<1024xi32, #tpu.memory_space<hbm>> -> memref<32xi32, #tpu.memory_space<hbm>>
      %dma_wait3A_1029 = tpu.memref_slice %arg3[%mul3A_2] : memref<1024xi32, #tpu.memory_space<hbm>> -> memref<32xi32, #tpu.memory_space<hbm>>
      tpu.wait_dma2 semaphore(%run_scoped3A : memref<!tpu.dma_semaphore, #tpu.memory_space<semaphore_mem>>) src(%dma_wait3A_1029 : memref<32xi32, #tpu.memory_space<hbm>>) dst(%arg5 : memref<32xi32, #tpu.memory_space<vmem>>)
      tpu.yield
    }) : () -> ()
    %get3A = arith.constant 0 : index
    %get3A_3 = tpu.vector_load %arg5[%get3A] {strides = array<i32>} : memref<32xi32, #tpu.memory_space<vmem>>, vector<16xi32>,
    %get3A_4 = vector.shape_cast %get3A_3 : vector<16xi32> to vector<16xi32>
    %slice3A = vector.extract_strided_slice %get3A_4 {offsets = [0], sizes = [1], strides = [1]} : vector<16xi32> to vector<1xi32>
    %squeeze3A = vector.extract %slice3A[0] : i32 from vector<1xi32>
    %and3A = arith.constant -8 : i32
    %and3A_5 = arith.andi %squeeze3A, %and3A : i32
    %multiple_of3A = tpu.assume_multiple %and3A_5, 8 : i32
    %add3A_6 = arith.constant 0 : i32
    %add3A_7 = arith.addi %mul3A_2, %add3A_6 : i32
    %and3A_8 = arith.constant -128 : i32
    %and3A_9 = arith.andi %add3A_7, %and3A_8 : i32
    %multiple_of3A_10 = tpu.assume_multiple %and3A_9, 128 : i32
    %dma_start3A = arith.constant 0 : i32
    %dma_start3A_11 = arith.constant 0 : i32
    %dma_start3A_12 = arith.constant 0 : i32
    %dma_start3A_13 = tpu.memref_slice %arg6[%dma_start3A, %dma_start3A_11, %dma_start3A_12] : memref<32x8x128xf32, #tpu.memory_space<vmem>> -> memref<1x8x128xf32, #tpu.memory_space<vmem>>
    %dma_start3A_14 = tpu.memref_squeeze %dma_start3A_13 : memref<1x8x128xf32, #tpu.memory_space<vmem>> -> memref<8x128xf32, #tpu.memory_space<vmem>>
    %dma_start3A_15 = tpu.memref_slice %arg2[%multiple_of3A, %multiple_of3A_10] : memref<100000x1024xf32, #tpu.memory_space<hbm>> -> memref<8x128xf32, #tpu.memory_space<hbm>>
    %dma_start3A_16 = arith.constant 0 : i32
    %dma_start3A_17 = arith.constant 0 : i32
    %dma_start3A_18 = tpu.memref_slice %arg6[%dma_start3A, %dma_start3A_16, %dma_start3A_17] : memref<32x8x128xf32, #tpu.memory_space<vmem>> -> memref<1x8x128xf32, #tpu.memory_space<vmem>>
    %dma_start3A_19 = tpu.memref_squeeze %dma_start3A_18 : memref<1x8x128xf32, #tpu.memory_space<vmem>> -> memref<8x128xf32, #tpu.memory_space<vmem>>
    %dma_start3A_20 = tpu.memref_slice %arg2[%multiple_of3A, %multiple_of3A_10] : memref<100000x1024xf32, #tpu.memory_space<hbm>> -> memref<8x128xf32, #tpu.memory_space<hbm>>
    tpu.enqueue_dma source(%dma_start3A_20 : memref<8x128xf32, #tpu.memory_space<hbm>>) target(%dma_start3A_19 : memref<8x128xf32, #tpu.memory_space<vmem>>) target_semaphore(%arg7 : memref<!tpu.dma_semaphore, #tpu.memory_space<semaphore_mem>>)
    %slice3A_21 = vector.extract_strided_slice %get3A_4 {offsets = [1], sizes = [1], strides = [1]} : vector<16xi32> to vector<1xi32>
    %squeeze3A_22 = vector.extract %slice3A_21[0] : i32 from vector<1xi32>
    %and3A_23 = arith.constant -8 : i32
    %and3A_24 = arith.andi %squeeze3A_22, %and3A_23 : i32
    %multiple_of3A_25 = tpu.assume_multiple %and3A_24, 8 : i32
    %add3A_26 = arith.constant 1 : i32
    %add3A_27 = arith.addi %mul3A_2, %add3A_26 : i32
    %and3A_28 = arith.constant -128 : i32
    %and3A_29 = arith.andi %add3A_27, %and3A_28 : i32
    %multiple_of3A_30 = tpu.assume_multiple %and3A_29, 128 : i32
    %dma_start3A_31 = arith.constant 1 : i32
    %dma_start3A_32 = arith.constant 0 : i32
    %dma_start3A_33 = arith.constant 0 : i32
    %dma_start3A_34 = tpu.memref_slice %arg6[%dma_start3A_31, %dma_start3A_32, %dma_start3A_33] : memref<32x8x128xf32, #tpu.memory_space<vmem>> -> memref<1x8x128xf32, #tpu.memory_space<vmem>>
    %dma_start3A_35 = tpu.memref_squeeze %dma_start3A_34 : memref<1x8x128xf32, #tpu.memory_space<vmem>> -> memref<8x128xf32, #tpu.memory_space<vmem>>
    %dma_start3A_36 = tpu.memref_slice %arg2[%multiple_of3A_25, %multiple_of3A_30] : memref<100000x1024xf32, #tpu.memory_space<hbm>> -> memref<8x128xf32, #tpu.memory_space<hbm>>
    %dma_start3A_37 = arith.constant 0 : i32
    %dma_start3A_38 = arith.constant 0 : i32
    %dma_start3A_39 = tpu.memref_slice %arg6[%dma_start3A_31, %dma_start3A_37, %dma_start3A_38] : memref<32x8x128xf32, #tpu.memory_space<vmem>> -> memref<1x8x128xf32, #tpu.memory_space<vmem>>
    %dma_start3A_40 = tpu.memref_squeeze %dma_start3A_39 : memref<1x8x128xf32, #tpu.memory_space<vmem>> -> memref<8x128xf32, #tpu.memory_space<vmem>>
    %dma_start3A_41 = tpu.memref_slice %arg2[%multiple_of3A_25, %multiple_of3A_30] : memref<100000x1024xf32, #tpu.memory_space<hbm>> -> memref<8x128xf32, #tpu.memory_space<hbm>>
    tpu.enqueue_dma source(%dma_start3A_41 : memref<8x128xf32, #tpu.memory_space<hbm>>) target(%dma_start3A_40 : memref<8x128xf32, #tpu.memory_space<vmem>>) target_semaphore(%arg7 : memref<!tpu.dma_semaphore, #tpu.memory_space<semaphore_mem>>)
    %slice3A_42 = vector.extract_strided_slice %get3A_4 {offsets = [2], sizes = [1], strides = [1]} : vector<16xi32> to vector<1xi32>
    %squeeze3A_43 = vector.extract %slice3A_42[0] : i32 from vector<1xi32>
    %and3A_44 = arith.constant -8 : i32
    %and3A_45 = arith.andi %squeeze3A_43, %and3A_44 : i32
    %multiple_of3A_46 = tpu.assume_multiple %and3A_45, 8 : i32
    %add3A_47 = arith.constant 2 : i32
    %add3A_48 = arith.addi %mul3A_2, %add3A_47 : i32
    %and3A_49 = arith.constant -128 : i32
    %and3A_50 = arith.andi %add3A_48, %and3A_49 : i32
    %multiple_of3A_51 = tpu.assume_multiple %and3A_50, 128 : i32
    %dma_start3A_52 = arith.constant 2 : i32
    %dma_start3A_53 = arith.constant 0 : i32
    %dma_start3A_54 = arith.constant 0 : i32
    %dma_start3A_55 = tpu.memref_slice %arg6[%dma_start3A_52, %dma_start3A_53, %dma_start3A_54] : memref<32x8x128xf32, #tpu.memory_space<vmem>> -> memref<1x8x128xf32, #tpu.memory_space<vmem>>
    %dma_start3A_56 = tpu.memref_squeeze %dma_start3A_55 : memref<1x8x128xf32, #tpu.memory_space<vmem>> -> memref<8x128xf32, #tpu.memory_space<vmem>>
    %dma_start3A_57 = tpu.memref_slice %arg2[%multiple_of3A_46, %multiple_of3A_51] : memref<100000x1024xf32, #tpu.memory_space<hbm>> -> memref<8x128xf32, #tpu.memory_space<hbm>>
    %dma_start3A_58 = arith.constant 0 : i32
    %dma_start3A_59 = arith.constant 0 : i32
    %dma_start3A_60 = tpu.memref_slice %arg6[%dma_start3A_52, %dma_start3A_58, %dma_start3A_59] : memref<32x8x128xf32, #tpu.memory_space<vmem>> -> memref<1x8x128xf32, #tpu.memory_space<vmem>>
    %dma_start3A_61 = tpu.memref_squeeze %dma_start3A_60 : memref<1x8x128xf32, #tpu.memory_space<vmem>> -> memref<8x128xf32, #tpu.memory_space<vmem>>
    %dma_start3A_62 = tpu.memref_slice %arg2[%multiple_of3A_46, %multiple_of3A_51] : memref<100000x1024xf32, #tpu.memory_space<hbm>> -> memref<8x128xf32, #tpu.memory_space<hbm>>
    tpu.enqueue_dma source(%dma_start3A_62 : memref<8x128xf32, #tpu.memory_space<hbm>>) target(%dma_start3A_61 : memref<8x128xf32, #tpu.memory_space<vmem>>) target_semaphore(%arg7 : memref<!tpu.dma_semaphore, #tpu.memory_space<semaphore_mem>>)
    %slice3A_63 = vector.extract_strided_slice %get3A_4 {offsets = [3], sizes = [1], strides = [1]} : vector<16xi32> to vector<1xi32>
    %squeeze3A_64 = vector.extract %slice3A_63[0] : i32 from vector<1xi32>
    %and3A_65 = arith.constant -8 : i32
    %and3A_66 = arith.andi %squeeze3A_64, %and3A_65 : i32
    %multiple_of3A_67 = tpu.assume_multiple %and3A_66, 8 : i32
    %add3A_68 = arith.constant 3 : i32
    %add3A_69 = arith.addi %mul3A_2, %add3A_68 : i32
    %and3A_70 = arith.constant -128 : i32
    %and3A_71 = arith.andi %add3A_69, %and3A_70 : i32
    %multiple_of3A_72 = tpu.assume_multiple %and3A_71, 128 : i32
    %dma_start3A_73 = arith.constant 3 : i32
    %dma_start3A_74 = arith.constant 0 : i32
    %dma_start3A_75 = arith.constant 0 : i32
    %dma_start3A_76 = tpu.memref_slice %arg6[%dma_start3A_73, %dma_start3A_74, %dma_start3A_75] : memref<32x8x128xf32, #tpu.memory_space<vmem>> -> memref<1x8x128xf32, #tpu.memory_space<vmem>>
    %dma_start3A_77 = tpu.memref_squeeze %dma_start3A_76 : memref<1x8x128xf32, #tpu.memory_space<vmem>> -> memref<8x128xf32, #tpu.memory_space<vmem>>
    %dma_start3A_78 = tpu.memref_slice %arg2[%multiple_of3A_67, %multiple_of3A_72] : memref<100000x1024xf32, #tpu.memory_space<hbm>> -> memref<8x128xf32, #tpu.memory_space<hbm>>
    %dma_start3A_79 = arith.constant 0 : i32
    %dma_start3A_80 = arith.constant 0 : i32
    %dma_start3A_81 = tpu.memref_slice %arg6[%dma_start3A_73, %dma_start3A_79, %dma_start3A_80] : memref<32x8x128xf32, #tpu.memory_space<vmem>> -> memref<1x8x128xf32, #tpu.memory_space<vmem>>
    %dma_start3A_82 = tpu.memref_squeeze %dma_start3A_81 : memref<1x8x128xf32, #tpu.memory_space<vmem>> -> memref<8x128xf32, #tpu.memory_space<vmem>>
    %dma_start3A_83 = tpu.memref_slice %arg2[%multiple_of3A_67, %multiple_of3A_72] : memref<100000x1024xf32, #tpu.memory_space<hbm>> -> memref<8x128xf32, #tpu.memory_space<hbm>>
    tpu.enqueue_dma source(%dma_start3A_83 : memref<8x128xf32, #tpu.memory_space<hbm>>) target(%dma_start3A_82 : memref<8x128xf32, #tpu.memory_space<vmem>>) target_semaphore(%arg7 : memref<!tpu.dma_semaphore, #tpu.memory_space<semaphore_mem>>)
    %slice3A_84 = vector.extract_strided_slice %get3A_4 {offsets = [4], sizes = [1], strides = [1]} : vector<16xi32> to vector<1xi32>
    %squeeze3A_85 = vector.extract %slice3A_84[0] : i32 from vector<1xi32>
    %and3A_86 = arith.constant -8 : i32
    %and3A_87 = arith.andi %squeeze3A_85, %and3A_86 : i32
    %multiple_of3A_88 = tpu.assume_multiple %and3A_87, 8 : i32
    %add3A_89 = arith.constant 4 : i32
    %add3A_90 = arith.addi %mul3A_2, %add3A_89 : i32
    %and3A_91 = arith.constant -128 : i32
    %and3A_92 = arith.andi %add3A_90, %and3A_91 : i32
    %multiple_of3A_93 = tpu.assume_multiple %and3A_92, 128 : i32
    %dma_start3A_94 = arith.constant 4 : i32
    %dma_start3A_95 = arith.constant 0 : i32
    %dma_start3A_96 = arith.constant 0 : i32
    %dma_start3A_97 = tpu.memref_slice %arg6[%dma_start3A_94, %dma_start3A_95, %dma_start3A_96] : memref<32x8x128xf32, #tpu.memory_space<vmem>> -> memref<1x8x128xf32, #tpu.memory_space<vmem>>
    %dma_start3A_98 = tpu.memref_squeeze %dma_start3A_97 : memref<1x8x128xf32, #tpu.memory_space<vmem>> -> memref<8x128xf32, #tpu.memory_space<vmem>>
    %dma_start3A_99 = tpu.memref_slice %arg2[%multiple_of3A_88, %multiple_of3A_93] : memref<100000x1024xf32, #tpu.memory_space<hbm>> -> memref<8x128xf32, #tpu.memory_space<hbm>>
    %dma_start3A_100 = arith.constant 0 : i32
    %dma_start3A_101 = arith.constant 0 : i32
    %dma_start3A_102 = tpu.memref_slice %arg6[%dma_start3A_94, %dma_start3A_100, %dma_start3A_101] : memref<32x8x128xf32, #tpu.memory_space<vmem>> -> memref<1x8x128xf32, #tpu.memory_space<vmem>>
    %dma_start3A_103 = tpu.memref_squeeze %dma_start3A_102 : memref<1x8x128xf32, #tpu.memory_space<vmem>> -> memref<8x128xf32, #tpu.memory_space<vmem>>
    %dma_start3A_104 = tpu.memref_slice %arg2[%multiple_of3A_88, %multiple_of3A_93] : memref<100000x1024xf32, #tpu.memory_space<hbm>> -> memref<8x128xf32, #tpu.memory_space<hbm>>
    tpu.enqueue_dma source(%dma_start3A_104 : memref<8x128xf32, #tpu.memory_space<hbm>>) target(%dma_start3A_103 : memref<8x128xf32, #tpu.memory_space<vmem>>) target_semaphore(%arg7 : memref<!tpu.dma_semaphore, #tpu.memory_space<semaphore_mem>>)
    %slice3A_105 = vector.extract_strided_slice %get3A_4 {offsets = [5], sizes = [1], strides = [1]} : vector<16xi32> to vector<1xi32>
    %squeeze3A_106 = vector.extract %slice3A_105[0] : i32 from vector<1xi32>
    %and3A_107 = arith.constant -8 : i32
    %and3A_108 = arith.andi %squeeze3A_106, %and3A_107 : i32
    %multiple_of3A_109 = tpu.assume_multiple %and3A_108, 8 : i32
    %add3A_110 = arith.constant 5 : i32
    %add3A_111 = arith.addi %mul3A_2, %add3A_110 : i32
    %and3A_112 = arith.constant -128 : i32
    %and3A_113 = arith.andi %add3A_111, %and3A_112 : i32
    %multiple_of3A_114 = tpu.assume_multiple %and3A_113, 128 : i32
    %dma_start3A_115 = arith.constant 5 : i32
    %dma_start3A_116 = arith.constant 0 : i32
    %dma_start3A_117 = arith.constant 0 : i32
    %dma_start3A_118 = tpu.memref_slice %arg6[%dma_start3A_115, %dma_start3A_116, %dma_start3A_117] : memref<32x8x128xf32, #tpu.memory_space<vmem>> -> memref<1x8x128xf32, #tpu.memory_space<vmem>>
    %dma_start3A_119 = tpu.memref_squeeze %dma_start3A_118 : memref<1x8x128xf32, #tpu.memory_space<vmem>> -> memref<8x128xf32, #tpu.memory_space<vmem>>
    %dma_start3A_120 = tpu.memref_slice %arg2[%multiple_of3A_109, %multiple_of3A_114] : memref<100000x1024xf32, #tpu.memory_space<hbm>> -> memref<8x128xf32, #tpu.memory_space<hbm>>
    %dma_start3A_121 = arith.constant 0 : i32
    %dma_start3A_122 = arith.constant 0 : i32
    %dma_start3A_123 = tpu.memref_slice %arg6[%dma_start3A_115, %dma_start3A_121, %dma_start3A_122] : memref<32x8x128xf32, #tpu.memory_space<vmem>> -> memref<1x8x128xf32, #tpu.memory_space<vmem>>
    %dma_start3A_124 = tpu.memref_squeeze %dma_start3A_123 : memref<1x8x128xf32, #tpu.memory_space<vmem>> -> memref<8x128xf32, #tpu.memory_space<vmem>>
    %dma_start3A_125 = tpu.memref_slice %arg2[%multiple_of3A_109, %multiple_of3A_114] : memref<100000x1024xf32, #tpu.memory_space<hbm>> -> memref<8x128xf32, #tpu.memory_space<hbm>>
    tpu.enqueue_dma source(%dma_start3A_125 : memref<8x128xf32, #tpu.memory_space<hbm>>) target(%dma_start3A_124 : memref<8x128xf32, #tpu.memory_space<vmem>>) target_semaphore(%arg7 : memref<!tpu.dma_semaphore, #tpu.memory_space<semaphore_mem>>)
    %slice3A_126 = vector.extract_strided_slice %get3A_4 {offsets = [6], sizes = [1], strides = [1]} : vector<16xi32> to vector<1xi32>
    %squeeze3A_127 = vector.extract %slice3A_126[0] : i32 from vector<1xi32>
    %and3A_128 = arith.constant -8 : i32
    %and3A_129 = arith.andi %squeeze3A_127, %and3A_128 : i32
    %multiple_of3A_130 = tpu.assume_multiple %and3A_129, 8 : i32
    %add3A_131 = arith.constant 6 : i32
    %add3A_132 = arith.addi %mul3A_2, %add3A_131 : i32
    %and3A_133 = arith.constant -128 : i32
    %and3A_134 = arith.andi %add3A_132, %and3A_133 : i32
    %multiple_of3A_135 = tpu.assume_multiple %and3A_134, 128 : i32
    %dma_start3A_136 = arith.constant 6 : i32
    %dma_start3A_137 = arith.constant 0 : i32
    %dma_start3A_138 = arith.constant 0 : i32
    %dma_start3A_139 = tpu.memref_slice %arg6[%dma_start3A_136, %dma_start3A_137, %dma_start3A_138] : memref<32x8x128xf32, #tpu.memory_space<vmem>> -> memref<1x8x128xf32, #tpu.memory_space<vmem>>
    %dma_start3A_140 = tpu.memref_squeeze %dma_start3A_139 : memref<1x8x128xf32, #tpu.memory_space<vmem>> -> memref<8x128xf32, #tpu.memory_space<vmem>>
    %dma_start3A_141 = tpu.memref_slice %arg2[%multiple_of3A_130, %multiple_of3A_135] : memref<100000x1024xf32, #tpu.memory_space<hbm>> -> memref<8x128xf32, #tpu.memory_space<hbm>>
    %dma_start3A_142 = arith.constant 0 : i32
    %dma_start3A_143 = arith.constant 0 : i32
    %dma_start3A_144 = tpu.memref_slice %arg6[%dma_start3A_136, %dma_start3A_142, %dma_start3A_143] : memref<32x8x128xf32, #tpu.memory_space<vmem>> -> memref<1x8x128xf32, #tpu.memory_space<vmem>>
    %dma_start3A_145 = tpu.memref_squeeze %dma_start3A_144 : memref<1x8x128xf32, #tpu.memory_space<vmem>> -> memref<8x128xf32, #tpu.memory_space<vmem>>
    %dma_start3A_146 = tpu.memref_slice %arg2[%multiple_of3A_130, %multiple_of3A_135] : memref<100000x1024xf32, #tpu.memory_space<hbm>> -> memref<8x128xf32, #tpu.memory_space<hbm>>
    tpu.enqueue_dma source(%dma_start3A_146 : memref<8x128xf32, #tpu.memory_space<hbm>>) target(%dma_start3A_145 : memref<8x128xf32, #tpu.memory_space<vmem>>) target_semaphore(%arg7 : memref<!tpu.dma_semaphore, #tpu.memory_space<semaphore_mem>>)
    %slice3A_147 = vector.extract_strided_slice %get3A_4 {offsets = [7], sizes = [1], strides = [1]} : vector<16xi32> to vector<1xi32>
    %squeeze3A_148 = vector.extract %slice3A_147[0] : i32 from vector<1xi32>
    %and3A_149 = arith.constant -8 : i32
    %and3A_150 = arith.andi %squeeze3A_148, %and3A_149 : i32
    %multiple_of3A_151 = tpu.assume_multiple %and3A_150, 8 : i32
    %add3A_152 = arith.constant 7 : i32
    %add3A_153 = arith.addi %mul3A_2, %add3A_152 : i32
    %and3A_154 = arith.constant -128 : i32
    %and3A_155 = arith.andi %add3A_153, %and3A_154 : i32
    %multiple_of3A_156 = tpu.assume_multiple %and3A_155, 128 : i32
    %dma_start3A_157 = arith.constant 7 : i32
    %dma_start3A_158 = arith.constant 0 : i32
    %dma_start3A_159 = arith.constant 0 : i32
    %dma_start3A_160 = tpu.memref_slice %arg6[%dma_start3A_157, %dma_start3A_158, %dma_start3A_159] : memref<32x8x128xf32, #tpu.memory_space<vmem>> -> memref<1x8x128xf32, #tpu.memory_space<vmem>>
    %dma_start3A_161 = tpu.memref_squeeze %dma_start3A_160 : memref<1x8x128xf32, #tpu.memory_space<vmem>> -> memref<8x128xf32, #tpu.memory_space<vmem>>
    %dma_start3A_162 = tpu.memref_slice %arg2[%multiple_of3A_151, %multiple_of3A_156] : memref<100000x1024xf32, #tpu.memory_space<hbm>> -> memref<8x128xf32, #tpu.memory_space<hbm>>
    %dma_start3A_163 = arith.constant 0 : i32
    %dma_start3A_164 = arith.constant 0 : i32
    %dma_start3A_165 = tpu.memref_slice %arg6[%dma_start3A_157, %dma_start3A_163, %dma_start3A_164] : memref<32x8x128xf32, #tpu.memory_space<vmem>> -> memref<1x8x128xf32, #tpu.memory_space<vmem>>
    %dma_start3A_166 = tpu.memref_squeeze %dma_start3A_165 : memref<1x8x128xf32, #tpu.memory_space<vmem>> -> memref<8x128xf32, #tpu.memory_space<vmem>>
    %dma_start3A_167 = tpu.memref_slice %arg2[%multiple_of3A_151, %multiple_of3A_156] : memref<100000x1024xf32, #tpu.memory_space<hbm>> -> memref<8x128xf32, #tpu.memory_space<hbm>>
    tpu.enqueue_dma source(%dma_start3A_167 : memref<8x128xf32, #tpu.memory_space<hbm>>) target(%dma_start3A_166 : memref<8x128xf32, #tpu.memory_space<vmem>>) target_semaphore(%arg7 : memref<!tpu.dma_semaphore, #tpu.memory_space<semaphore_mem>>)
    %slice3A_168 = vector.extract_strided_slice %get3A_4 {offsets = [8], sizes = [1], strides = [1]} : vector<16xi32> to vector<1xi32>
    %squeeze3A_169 = vector.extract %slice3A_168[0] : i32 from vector<1xi32>
    %and3A_170 = arith.constant -8 : i32
    %and3A_171 = arith.andi %squeeze3A_169, %and3A_170 : i32
    %multiple_of3A_172 = tpu.assume_multiple %and3A_171, 8 : i32
    %add3A_173 = arith.constant 8 : i32
    %add3A_174 = arith.addi %mul3A_2, %add3A_173 : i32
    %and3A_175 = arith.constant -128 : i32
    %and3A_176 = arith.andi %add3A_174, %and3A_175 : i32
    %multiple_of3A_177 = tpu.assume_multiple %and3A_176, 128 : i32
    %dma_start3A_178 = arith.constant 8 : i32
    %dma_start3A_179 = arith.constant 0 : i32
    %dma_start3A_180 = arith.constant 0 : i32
    %dma_start3A_181 = tpu.memref_slice %arg6[%dma_start3A_178, %dma_start3A_179, %dma_start3A_180] : memref<32x8x128xf32, #tpu.memory_space<vmem>> -> memref<1x8x128xf32, #tpu.memory_space<vmem>>
    %dma_start3A_182 = tpu.memref_squeeze %dma_start3A_181 : memref<1x8x128xf32, #tpu.memory_space<vmem>> -> memref<8x128xf32, #tpu.memory_space<vmem>>
    %dma_start3A_183 = tpu.memref_slice %arg2[%multiple_of3A_172, %multiple_of3A_177] : memref<100000x1024xf32, #tpu.memory_space<hbm>> -> memref<8x128xf32, #tpu.memory_space<hbm>>
    %dma_start3A_184 = arith.constant 0 : i32
    %dma_start3A_185 = arith.constant 0 : i32
    %dma_start3A_186 = tpu.memref_slice %arg6[%dma_start3A_178, %dma_start3A_184, %dma_start3A_185] : memref<32x8x128xf32, #tpu.memory_space<vmem>> -> memref<1x8x128xf32, #tpu.memory_space<vmem>>
    %dma_start3A_187 = tpu.memref_squeeze %dma_start3A_186 : memref<1x8x128xf32, #tpu.memory_space<vmem>> -> memref<8x128xf32, #tpu.memory_space<vmem>>
    %dma_start3A_188 = tpu.memref_slice %arg2[%multiple_of3A_172, %multiple_of3A_177] : memref<100000x1024xf32, #tpu.memory_space<hbm>> -> memref<8x128xf32, #tpu.memory_space<hbm>>
    tpu.enqueue_dma source(%dma_start3A_188 : memref<8x128xf32, #tpu.memory_space<hbm>>) target(%dma_start3A_187 : memref<8x128xf32, #tpu.memory_space<vmem>>) target_semaphore(%arg7 : memref<!tpu.dma_semaphore, #tpu.memory_space<semaphore_mem>>)
    %slice3A_189 = vector.extract_strided_slice %get3A_4 {offsets = [9], sizes = [1], strides = [1]} : vector<16xi32> to vector<1xi32>
    %squeeze3A_190 = vector.extract %slice3A_189[0] : i32 from vector<1xi32>
    %and3A_191 = arith.constant -8 : i32
    %and3A_192 = arith.andi %squeeze3A_190, %and3A_191 : i32
    %multiple_of3A_193 = tpu.assume_multiple %and3A_192, 8 : i32
    %add3A_194 = arith.constant 9 : i32
    %add3A_195 = arith.addi %mul3A_2, %add3A_194 : i32
    %and3A_196 = arith.constant -128 : i32
    %and3A_197 = arith.andi %add3A_195, %and3A_196 : i32
    %multiple_of3A_198 = tpu.assume_multiple %and3A_197, 128 : i32
    %dma_start3A_199 = arith.constant 9 : i32
    %dma_start3A_200 = arith.constant 0 : i32
    %dma_start3A_201 = arith.constant 0 : i32
    %dma_start3A_202 = tpu.memref_slice %arg6[%dma_start3A_199, %dma_start3A_200, %dma_start3A_201] : memref<32x8x128xf32, #tpu.memory_space<vmem>> -> memref<1x8x128xf32, #tpu.memory_space<vmem>>
    %dma_start3A_203 = tpu.memref_squeeze %dma_start3A_202 : memref<1x8x128xf32, #tpu.memory_space<vmem>> -> memref<8x128xf32, #tpu.memory_space<vmem>>
    %dma_start3A_204 = tpu.memref_slice %arg2[%multiple_of3A_193, %multiple_of3A_198] : memref<100000x1024xf32, #tpu.memory_space<hbm>> -> memref<8x128xf32, #tpu.memory_space<hbm>>
    %dma_start3A_205 = arith.constant 0 : i32
    %dma_start3A_206 = arith.constant 0 : i32
    %dma_start3A_207 = tpu.memref_slice %arg6[%dma_start3A_199, %dma_start3A_205, %dma_start3A_206] : memref<32x8x128xf32, #tpu.memory_space<vmem>> -> memref<1x8x128xf32, #tpu.memory_space<vmem>>
    %dma_start3A_208 = tpu.memref_squeeze %dma_start3A_207 : memref<1x8x128xf32, #tpu.memory_space<vmem>> -> memref<8x128xf32, #tpu.memory_space<vmem>>
    %dma_start3A_209 = tpu.memref_slice %arg2[%multiple_of3A_193, %multiple_of3A_198] : memref<100000x1024xf32, #tpu.memory_space<hbm>> -> memref<8x128xf32, #tpu.memory_space<hbm>>
    tpu.enqueue_dma source(%dma_start3A_209 : memref<8x128xf32, #tpu.memory_space<hbm>>) target(%dma_start3A_208 : memref<8x128xf32, #tpu.memory_space<vmem>>) target_semaphore(%arg7 : memref<!tpu.dma_semaphore, #tpu.memory_space<semaphore_mem>>)
    %slice3A_210 = vector.extract_strided_slice %get3A_4 {offsets = [10], sizes = [1], strides = [1]} : vector<16xi32> to vector<1xi32>
    %squeeze3A_211 = vector.extract %slice3A_210[0] : i32 from vector<1xi32>
    %and3A_212 = arith.constant -8 : i32
    %and3A_213 = arith.andi %squeeze3A_211, %and3A_212 : i32
    %multiple_of3A_214 = tpu.assume_multiple %and3A_213, 8 : i32
    %add3A_215 = arith.constant 10 : i32
    %add3A_216 = arith.addi %mul3A_2, %add3A_215 : i32
    %and3A_217 = arith.constant -128 : i32
    %and3A_218 = arith.andi %add3A_216, %and3A_217 : i32
    %multiple_of3A_219 = tpu.assume_multiple %and3A_218, 128 : i32
    %dma_start3A_220 = arith.constant 10 : i32
    %dma_start3A_221 = arith.constant 0 : i32
    %dma_start3A_222 = arith.constant 0 : i32
    %dma_start3A_223 = tpu.memref_slice %arg6[%dma_start3A_220, %dma_start3A_221, %dma_start3A_222] : memref<32x8x128xf32, #tpu.memory_space<vmem>> -> memref<1x8x128xf32, #tpu.memory_space<vmem>>
    %dma_start3A_224 = tpu.memref_squeeze %dma_start3A_223 : memref<1x8x128xf32, #tpu.memory_space<vmem>> -> memref<8x128xf32, #tpu.memory_space<vmem>>
    %dma_start3A_225 = tpu.memref_slice %arg2[%multiple_of3A_214, %multiple_of3A_219] : memref<100000x1024xf32, #tpu.memory_space<hbm>> -> memref<8x128xf32, #tpu.memory_space<hbm>>
    %dma_start3A_226 = arith.constant 0 : i32
    %dma_start3A_227 = arith.constant 0 : i32
    %dma_start3A_228 = tpu.memref_slice %arg6[%dma_start3A_220, %dma_start3A_226, %dma_start3A_227] : memref<32x8x128xf32, #tpu.memory_space<vmem>> -> memref<1x8x128xf32, #tpu.memory_space<vmem>>
    %dma_start3A_229 = tpu.memref_squeeze %dma_start3A_228 : memref<1x8x128xf32, #tpu.memory_space<vmem>> -> memref<8x128xf32, #tpu.memory_space<vmem>>
    %dma_start3A_230 = tpu.memref_slice %arg2[%multiple_of3A_214, %multiple_of3A_219] : memref<100000x1024xf32, #tpu.memory_space<hbm>> -> memref<8x128xf32, #tpu.memory_space<hbm>>
    tpu.enqueue_dma source(%dma_start3A_230 : memref<8x128xf32, #tpu.memory_space<hbm>>) target(%dma_start3A_229 : memref<8x128xf32, #tpu.memory_space<vmem>>) target_semaphore(%arg7 : memref<!tpu.dma_semaphore, #tpu.memory_space<semaphore_mem>>)
    %slice3A_231 = vector.extract_strided_slice %get3A_4 {offsets = [11], sizes = [1], strides = [1]} : vector<16xi32> to vector<1xi32>
    %squeeze3A_232 = vector.extract %slice3A_231[0] : i32 from vector<1xi32>
    %and3A_233 = arith.constant -8 : i32
    %and3A_234 = arith.andi %squeeze3A_232, %and3A_233 : i32
    %multiple_of3A_235 = tpu.assume_multiple %and3A_234, 8 : i32
    %add3A_236 = arith.constant 11 : i32
    %add3A_237 = arith.addi %mul3A_2, %add3A_236 : i32
    %and3A_238 = arith.constant -128 : i32
    %and3A_239 = arith.andi %add3A_237, %and3A_238 : i32
    %multiple_of3A_240 = tpu.assume_multiple %and3A_239, 128 : i32
    %dma_start3A_241 = arith.constant 11 : i32
    %dma_start3A_242 = arith.constant 0 : i32
    %dma_start3A_243 = arith.constant 0 : i32
    %dma_start3A_244 = tpu.memref_slice %arg6[%dma_start3A_241, %dma_start3A_242, %dma_start3A_243] : memref<32x8x128xf32, #tpu.memory_space<vmem>> -> memref<1x8x128xf32, #tpu.memory_space<vmem>>
    %dma_start3A_245 = tpu.memref_squeeze %dma_start3A_244 : memref<1x8x128xf32, #tpu.memory_space<vmem>> -> memref<8x128xf32, #tpu.memory_space<vmem>>
    %dma_start3A_246 = tpu.memref_slice %arg2[%multiple_of3A_235, %multiple_of3A_240] : memref<100000x1024xf32, #tpu.memory_space<hbm>> -> memref<8x128xf32, #tpu.memory_space<hbm>>
    %dma_start3A_247 = arith.constant 0 : i32
    %dma_start3A_248 = arith.constant 0 : i32
    %dma_start3A_249 = tpu.memref_slice %arg6[%dma_start3A_241, %dma_start3A_247, %dma_start3A_248] : memref<32x8x128xf32, #tpu.memory_space<vmem>> -> memref<1x8x128xf32, #tpu.memory_space<vmem>>
    %dma_start3A_250 = tpu.memref_squeeze %dma_start3A_249 : memref<1x8x128xf32, #tpu.memory_space<vmem>> -> memref<8x128xf32, #tpu.memory_space<vmem>>
    %dma_start3A_251 = tpu.memref_slice %arg2[%multiple_of3A_235, %multiple_of3A_240] : memref<100000x1024xf32, #tpu.memory_space<hbm>> -> memref<8x128xf32, #tpu.memory_space<hbm>>
    tpu.enqueue_dma source(%dma_start3A_251 : memref<8x128xf32, #tpu.memory_space<hbm>>) target(%dma_start3A_250 : memref<8x128xf32, #tpu.memory_space<vmem>>) target_semaphore(%arg7 : memref<!tpu.dma_semaphore, #tpu.memory_space<semaphore_mem>>)
    %slice3A_252 = vector.extract_strided_slice %get3A_4 {offsets = [12], sizes = [1], strides = [1]} : vector<16xi32> to vector<1xi32>
    %squeeze3A_253 = vector.extract %slice3A_252[0] : i32 from vector<1xi32>
    %and3A_254 = arith.constant -8 : i32
    %and3A_255 = arith.andi %squeeze3A_253, %and3A_254 : i32
    %multiple_of3A_256 = tpu.assume_multiple %and3A_255, 8 : i32
    %add3A_257 = arith.constant 12 : i32
    %add3A_258 = arith.addi %mul3A_2, %add3A_257 : i32
    %and3A_259 = arith.constant -128 : i32
    %and3A_260 = arith.andi %add3A_258, %and3A_259 : i32
    %multiple_of3A_261 = tpu.assume_multiple %and3A_260, 128 : i32
    %dma_start3A_262 = arith.constant 12 : i32
    %dma_start3A_263 = arith.constant 0 : i32
    %dma_start3A_264 = arith.constant 0 : i32
    %dma_start3A_265 = tpu.memref_slice %arg6[%dma_start3A_262, %dma_start3A_263, %dma_start3A_264] : memref<32x8x128xf32, #tpu.memory_space<vmem>> -> memref<1x8x128xf32, #tpu.memory_space<vmem>>
    %dma_start3A_266 = tpu.memref_squeeze %dma_start3A_265 : memref<1x8x128xf32, #tpu.memory_space<vmem>> -> memref<8x128xf32, #tpu.memory_space<vmem>>
    %dma_start3A_267 = tpu.memref_slice %arg2[%multiple_of3A_256, %multiple_of3A_261] : memref<100000x1024xf32, #tpu.memory_space<hbm>> -> memref<8x128xf32, #tpu.memory_space<hbm>>
    %dma_start3A_268 = arith.constant 0 : i32
    %dma_start3A_269 = arith.constant 0 : i32
    %dma_start3A_270 = tpu.memref_slice %arg6[%dma_start3A_262, %dma_start3A_268, %dma_start3A_269] : memref<32x8x128xf32, #tpu.memory_space<vmem>> -> memref<1x8x128xf32, #tpu.memory_space<vmem>>
    %dma_start3A_271 = tpu.memref_squeeze %dma_start3A_270 : memref<1x8x128xf32, #tpu.memory_space<vmem>> -> memref<8x128xf32, #tpu.memory_space<vmem>>
    %dma_start3A_272 = tpu.memref_slice %arg2[%multiple_of3A_256, %multiple_of3A_261] : memref<100000x1024xf32, #tpu.memory_space<hbm>> -> memref<8x128xf32, #tpu.memory_space<hbm>>
    tpu.enqueue_dma source(%dma_start3A_272 : memref<8x128xf32, #tpu.memory_space<hbm>>) target(%dma_start3A_271 : memref<8x128xf32, #tpu.memory_space<vmem>>) target_semaphore(%arg7 : memref<!tpu.dma_semaphore, #tpu.memory_space<semaphore_mem>>)
    %slice3A_273 = vector.extract_strided_slice %get3A_4 {offsets = [13], sizes = [1], strides = [1]} : vector<16xi32> to vector<1xi32>
    %squeeze3A_274 = vector.extract %slice3A_273[0] : i32 from vector<1xi32>
    %and3A_275 = arith.constant -8 : i32
    %and3A_276 = arith.andi %squeeze3A_274, %and3A_275 : i32
    %multiple_of3A_277 = tpu.assume_multiple %and3A_276, 8 : i32
    %add3A_278 = arith.constant 13 : i32
    %add3A_279 = arith.addi %mul3A_2, %add3A_278 : i32
    %and3A_280 = arith.constant -128 : i32
    %and3A_281 = arith.andi %add3A_279, %and3A_280 : i32
    %multiple_of3A_282 = tpu.assume_multiple %and3A_281, 128 : i32
    %dma_start3A_283 = arith.constant 13 : i32
    %dma_start3A_284 = arith.constant 0 : i32
    %dma_start3A_285 = arith.constant 0 : i32
    %dma_start3A_286 = tpu.memref_slice %arg6[%dma_start3A_283, %dma_start3A_284, %dma_start3A_285] : memref<32x8x128xf32, #tpu.memory_space<vmem>> -> memref<1x8x128xf32, #tpu.memory_space<vmem>>
    %dma_start3A_287 = tpu.memref_squeeze %dma_start3A_286 : memref<1x8x128xf32, #tpu.memory_space<vmem>> -> memref<8x128xf32, #tpu.memory_space<vmem>>
    %dma_start3A_288 = tpu.memref_slice %arg2[%multiple_of3A_277, %multiple_of3A_282] : memref<100000x1024xf32, #tpu.memory_space<hbm>> -> memref<8x128xf32, #tpu.memory_space<hbm>>
    %dma_start3A_289 = arith.constant 0 : i32
    %dma_start3A_290 = arith.constant 0 : i32
    %dma_start3A_291 = tpu.memref_slice %arg6[%dma_start3A_283, %dma_start3A_289, %dma_start3A_290] : memref<32x8x128xf32, #tpu.memory_space<vmem>> -> memref<1x8x128xf32, #tpu.memory_space<vmem>>
    %dma_start3A_292 = tpu.memref_squeeze %dma_start3A_291 : memref<1x8x128xf32, #tpu.memory_space<vmem>> -> memref<8x128xf32, #tpu.memory_space<vmem>>
    %dma_start3A_293 = tpu.memref_slice %arg2[%multiple_of3A_277, %multiple_of3A_282] : memref<100000x1024xf32, #tpu.memory_space<hbm>> -> memref<8x128xf32, #tpu.memory_space<hbm>>
    tpu.enqueue_dma source(%dma_start3A_293 : memref<8x128xf32, #tpu.memory_space<hbm>>) target(%dma_start3A_292 : memref<8x128xf32, #tpu.memory_space<vmem>>) target_semaphore(%arg7 : memref<!tpu.dma_semaphore, #tpu.memory_space<semaphore_mem>>)
    %slice3A_294 = vector.extract_strided_slice %get3A_4 {offsets = [14], sizes = [1], strides = [1]} : vector<16xi32> to vector<1xi32>
    %squeeze3A_295 = vector.extract %slice3A_294[0] : i32 from vector<1xi32>
    %and3A_296 = arith.constant -8 : i32
    %and3A_297 = arith.andi %squeeze3A_295, %and3A_296 : i32
    %multiple_of3A_298 = tpu.assume_multiple %and3A_297, 8 : i32
    %add3A_299 = arith.constant 14 : i32
    %add3A_300 = arith.addi %mul3A_2, %add3A_299 : i32
    %and3A_301 = arith.constant -128 : i32
    %and3A_302 = arith.andi %add3A_300, %and3A_301 : i32
    %multiple_of3A_303 = tpu.assume_multiple %and3A_302, 128 : i32
    %dma_start3A_304 = arith.constant 14 : i32
    %dma_start3A_305 = arith.constant 0 : i32
    %dma_start3A_306 = arith.constant 0 : i32
    %dma_start3A_307 = tpu.memref_slice %arg6[%dma_start3A_304, %dma_start3A_305, %dma_start3A_306] : memref<32x8x128xf32, #tpu.memory_space<vmem>> -> memref<1x8x128xf32, #tpu.memory_space<vmem>>
    %dma_start3A_308 = tpu.memref_squeeze %dma_start3A_307 : memref<1x8x128xf32, #tpu.memory_space<vmem>> -> memref<8x128xf32, #tpu.memory_space<vmem>>
    %dma_start3A_309 = tpu.memref_slice %arg2[%multiple_of3A_298, %multiple_of3A_303] : memref<100000x1024xf32, #tpu.memory_space<hbm>> -> memref<8x128xf32, #tpu.memory_space<hbm>>
    %dma_start3A_310 = arith.constant 0 : i32
    %dma_start3A_311 = arith.constant 0 : i32
    %dma_start3A_312 = tpu.memref_slice %arg6[%dma_start3A_304, %dma_start3A_310, %dma_start3A_311] : memref<32x8x128xf32, #tpu.memory_space<vmem>> -> memref<1x8x128xf32, #tpu.memory_space<vmem>>
    %dma_start3A_313 = tpu.memref_squeeze %dma_start3A_312 : memref<1x8x128xf32, #tpu.memory_space<vmem>> -> memref<8x128xf32, #tpu.memory_space<vmem>>
    %dma_start3A_314 = tpu.memref_slice %arg2[%multiple_of3A_298, %multiple_of3A_303] : memref<100000x1024xf32, #tpu.memory_space<hbm>> -> memref<8x128xf32, #tpu.memory_space<hbm>>
    tpu.enqueue_dma source(%dma_start3A_314 : memref<8x128xf32, #tpu.memory_space<hbm>>) target(%dma_start3A_313 : memref<8x128xf32, #tpu.memory_space<vmem>>) target_semaphore(%arg7 : memref<!tpu.dma_semaphore, #tpu.memory_space<semaphore_mem>>)
    %slice3A_315 = vector.extract_strided_slice %get3A_4 {offsets = [15], sizes = [1], strides = [1]} : vector<16xi32> to vector<1xi32>
    %squeeze3A_316 = vector.extract %slice3A_315[0] : i32 from vector<1xi32>
    %and3A_317 = arith.constant -8 : i32
    %and3A_318 = arith.andi %squeeze3A_316, %and3A_317 : i32
    %multiple_of3A_319 = tpu.assume_multiple %and3A_318, 8 : i32
    %add3A_320 = arith.constant 15 : i32
    %add3A_321 = arith.addi %mul3A_2, %add3A_320 : i32
    %and3A_322 = arith.constant -128 : i32
    %and3A_323 = arith.andi %add3A_321, %and3A_322 : i32
    %multiple_of3A_324 = tpu.assume_multiple %and3A_323, 128 : i32
    %dma_start3A_325 = arith.constant 15 : i32
    %dma_start3A_326 = arith.constant 0 : i32
    %dma_start3A_327 = arith.constant 0 : i32
    %dma_start3A_328 = tpu.memref_slice %arg6[%dma_start3A_325, %dma_start3A_326, %dma_start3A_327] : memref<32x8x128xf32, #tpu.memory_space<vmem>> -> memref<1x8x128xf32, #tpu.memory_space<vmem>>
    %dma_start3A_329 = tpu.memref_squeeze %dma_start3A_328 : memref<1x8x128xf32, #tpu.memory_space<vmem>> -> memref<8x128xf32, #tpu.memory_space<vmem>>
    %dma_start3A_330 = tpu.memref_slice %arg2[%multiple_of3A_319, %multiple_of3A_324] : memref<100000x1024xf32, #tpu.memory_space<hbm>> -> memref<8x128xf32, #tpu.memory_space<hbm>>
    %dma_start3A_331 = arith.constant 0 : i32
    %dma_start3A_332 = arith.constant 0 : i32
    %dma_start3A_333 = tpu.memref_slice %arg6[%dma_start3A_325, %dma_start3A_331, %dma_start3A_332] : memref<32x8x128xf32, #tpu.memory_space<vmem>> -> memref<1x8x128xf32, #tpu.memory_space<vmem>>
    %dma_start3A_334 = tpu.memref_squeeze %dma_start3A_333 : memref<1x8x128xf32, #tpu.memory_space<vmem>> -> memref<8x128xf32, #tpu.memory_space<vmem>>
    %dma_start3A_335 = tpu.memref_slice %arg2[%multiple_of3A_319, %multiple_of3A_324] : memref<100000x1024xf32, #tpu.memory_space<hbm>> -> memref<8x128xf32, #tpu.memory_space<hbm>>
    tpu.enqueue_dma source(%dma_start3A_335 : memref<8x128xf32, #tpu.memory_space<hbm>>) target(%dma_start3A_334 : memref<8x128xf32, #tpu.memory_space<vmem>>) target_semaphore(%arg7 : memref<!tpu.dma_semaphore, #tpu.memory_space<semaphore_mem>>)
    %get3A_336 = arith.constant 16 : index
    %get3A_337 = tpu.vector_load %arg5[%get3A_336] {strides = array<i32>} : memref<32xi32, #tpu.memory_space<vmem>>, vector<16xi32>,
    %get3A_338 = vector.shape_cast %get3A_337 : vector<16xi32> to vector<16xi32>
    %slice3A_339 = vector.extract_strided_slice %get3A_338 {offsets = [0], sizes = [1], strides = [1]} : vector<16xi32> to vector<1xi32>
    %squeeze3A_340 = vector.extract %slice3A_339[0] : i32 from vector<1xi32>
    %and3A_341 = arith.constant -8 : i32
    %and3A_342 = arith.andi %squeeze3A_340, %and3A_341 : i32
    %multiple_of3A_343 = tpu.assume_multiple %and3A_342, 8 : i32
    %add3A_344 = arith.constant 16 : i32
    %add3A_345 = arith.addi %mul3A_2, %add3A_344 : i32
    %and3A_346 = arith.constant -128 : i32
    %and3A_347 = arith.andi %add3A_345, %and3A_346 : i32
    %multiple_of3A_348 = tpu.assume_multiple %and3A_347, 128 : i32
    %dma_start3A_349 = arith.constant 16 : i32
    %dma_start3A_350 = arith.constant 0 : i32
    %dma_start3A_351 = arith.constant 0 : i32
    %dma_start3A_352 = tpu.memref_slice %arg6[%dma_start3A_349, %dma_start3A_350, %dma_start3A_351] : memref<32x8x128xf32, #tpu.memory_space<vmem>> -> memref<1x8x128xf32, #tpu.memory_space<vmem>>
    %dma_start3A_353 = tpu.memref_squeeze %dma_start3A_352 : memref<1x8x128xf32, #tpu.memory_space<vmem>> -> memref<8x128xf32, #tpu.memory_space<vmem>>
    %dma_start3A_354 = tpu.memref_slice %arg2[%multiple_of3A_343, %multiple_of3A_348] : memref<100000x1024xf32, #tpu.memory_space<hbm>> -> memref<8x128xf32, #tpu.memory_space<hbm>>
    %dma_start3A_355 = arith.constant 0 : i32
    %dma_start3A_356 = arith.constant 0 : i32
    %dma_start3A_357 = tpu.memref_slice %arg6[%dma_start3A_349, %dma_start3A_355, %dma_start3A_356] : memref<32x8x128xf32, #tpu.memory_space<vmem>> -> memref<1x8x128xf32, #tpu.memory_space<vmem>>
    %dma_start3A_358 = tpu.memref_squeeze %dma_start3A_357 : memref<1x8x128xf32, #tpu.memory_space<vmem>> -> memref<8x128xf32, #tpu.memory_space<vmem>>
    %dma_start3A_359 = tpu.memref_slice %arg2[%multiple_of3A_343, %multiple_of3A_348] : memref<100000x1024xf32, #tpu.memory_space<hbm>> -> memref<8x128xf32, #tpu.memory_space<hbm>>
    tpu.enqueue_dma source(%dma_start3A_359 : memref<8x128xf32, #tpu.memory_space<hbm>>) target(%dma_start3A_358 : memref<8x128xf32, #tpu.memory_space<vmem>>) target_semaphore(%arg7 : memref<!tpu.dma_semaphore, #tpu.memory_space<semaphore_mem>>)
    %slice3A_360 = vector.extract_strided_slice %get3A_338 {offsets = [1], sizes = [1], strides = [1]} : vector<16xi32> to vector<1xi32>
    %squeeze3A_361 = vector.extract %slice3A_360[0] : i32 from vector<1xi32>
    %and3A_362 = arith.constant -8 : i32
    %and3A_363 = arith.andi %squeeze3A_361, %and3A_362 : i32
    %multiple_of3A_364 = tpu.assume_multiple %and3A_363, 8 : i32
    %add3A_365 = arith.constant 17 : i32
    %add3A_366 = arith.addi %mul3A_2, %add3A_365 : i32
    %and3A_367 = arith.constant -128 : i32
    %and3A_368 = arith.andi %add3A_366, %and3A_367 : i32
    %multiple_of3A_369 = tpu.assume_multiple %and3A_368, 128 : i32
    %dma_start3A_370 = arith.constant 17 : i32
    %dma_start3A_371 = arith.constant 0 : i32
    %dma_start3A_372 = arith.constant 0 : i32
    %dma_start3A_373 = tpu.memref_slice %arg6[%dma_start3A_370, %dma_start3A_371, %dma_start3A_372] : memref<32x8x128xf32, #tpu.memory_space<vmem>> -> memref<1x8x128xf32, #tpu.memory_space<vmem>>
    %dma_start3A_374 = tpu.memref_squeeze %dma_start3A_373 : memref<1x8x128xf32, #tpu.memory_space<vmem>> -> memref<8x128xf32, #tpu.memory_space<vmem>>
    %dma_start3A_375 = tpu.memref_slice %arg2[%multiple_of3A_364, %multiple_of3A_369] : memref<100000x1024xf32, #tpu.memory_space<hbm>> -> memref<8x128xf32, #tpu.memory_space<hbm>>
    %dma_start3A_376 = arith.constant 0 : i32
    %dma_start3A_377 = arith.constant 0 : i32
    %dma_start3A_378 = tpu.memref_slice %arg6[%dma_start3A_370, %dma_start3A_376, %dma_start3A_377] : memref<32x8x128xf32, #tpu.memory_space<vmem>> -> memref<1x8x128xf32, #tpu.memory_space<vmem>>
    %dma_start3A_379 = tpu.memref_squeeze %dma_start3A_378 : memref<1x8x128xf32, #tpu.memory_space<vmem>> -> memref<8x128xf32, #tpu.memory_space<vmem>>
    %dma_start3A_380 = tpu.memref_slice %arg2[%multiple_of3A_364, %multiple_of3A_369] : memref<100000x1024xf32, #tpu.memory_space<hbm>> -> memref<8x128xf32, #tpu.memory_space<hbm>>
    tpu.enqueue_dma source(%dma_start3A_380 : memref<8x128xf32, #tpu.memory_space<hbm>>) target(%dma_start3A_379 : memref<8x128xf32, #tpu.memory_space<vmem>>) target_semaphore(%arg7 : memref<!tpu.dma_semaphore, #tpu.memory_space<semaphore_mem>>)
    %slice3A_381 = vector.extract_strided_slice %get3A_338 {offsets = [2], sizes = [1], strides = [1]} : vector<16xi32> to vector<1xi32>
    %squeeze3A_382 = vector.extract %slice3A_381[0] : i32 from vector<1xi32>
    %and3A_383 = arith.constant -8 : i32
    %and3A_384 = arith.andi %squeeze3A_382, %and3A_383 : i32
    %multiple_of3A_385 = tpu.assume_multiple %and3A_384, 8 : i32
    %add3A_386 = arith.constant 18 : i32
    %add3A_387 = arith.addi %mul3A_2, %add3A_386 : i32
    %and3A_388 = arith.constant -128 : i32
    %and3A_389 = arith.andi %add3A_387, %and3A_388 : i32
    %multiple_of3A_390 = tpu.assume_multiple %and3A_389, 128 : i32
    %dma_start3A_391 = arith.constant 18 : i32
    %dma_start3A_392 = arith.constant 0 : i32
    %dma_start3A_393 = arith.constant 0 : i32
    %dma_start3A_394 = tpu.memref_slice %arg6[%dma_start3A_391, %dma_start3A_392, %dma_start3A_393] : memref<32x8x128xf32, #tpu.memory_space<vmem>> -> memref<1x8x128xf32, #tpu.memory_space<vmem>>
    %dma_start3A_395 = tpu.memref_squeeze %dma_start3A_394 : memref<1x8x128xf32, #tpu.memory_space<vmem>> -> memref<8x128xf32, #tpu.memory_space<vmem>>
    %dma_start3A_396 = tpu.memref_slice %arg2[%multiple_of3A_385, %multiple_of3A_390] : memref<100000x1024xf32, #tpu.memory_space<hbm>> -> memref<8x128xf32, #tpu.memory_space<hbm>>
    %dma_start3A_397 = arith.constant 0 : i32
    %dma_start3A_398 = arith.constant 0 : i32
    %dma_start3A_399 = tpu.memref_slice %arg6[%dma_start3A_391, %dma_start3A_397, %dma_start3A_398] : memref<32x8x128xf32, #tpu.memory_space<vmem>> -> memref<1x8x128xf32, #tpu.memory_space<vmem>>
    %dma_start3A_400 = tpu.memref_squeeze %dma_start3A_399 : memref<1x8x128xf32, #tpu.memory_space<vmem>> -> memref<8x128xf32, #tpu.memory_space<vmem>>
    %dma_start3A_401 = tpu.memref_slice %arg2[%multiple_of3A_385, %multiple_of3A_390] : memref<100000x1024xf32, #tpu.memory_space<hbm>> -> memref<8x128xf32, #tpu.memory_space<hbm>>
    tpu.enqueue_dma source(%dma_start3A_401 : memref<8x128xf32, #tpu.memory_space<hbm>>) target(%dma_start3A_400 : memref<8x128xf32, #tpu.memory_space<vmem>>) target_semaphore(%arg7 : memref<!tpu.dma_semaphore, #tpu.memory_space<semaphore_mem>>)
    %slice3A_402 = vector.extract_strided_slice %get3A_338 {offsets = [3], sizes = [1], strides = [1]} : vector<16xi32> to vector<1xi32>
    %squeeze3A_403 = vector.extract %slice3A_402[0] : i32 from vector<1xi32>
    %and3A_404 = arith.constant -8 : i32
    %and3A_405 = arith.andi %squeeze3A_403, %and3A_404 : i32
    %multiple_of3A_406 = tpu.assume_multiple %and3A_405, 8 : i32
    %add3A_407 = arith.constant 19 : i32
    %add3A_408 = arith.addi %mul3A_2, %add3A_407 : i32
    %and3A_409 = arith.constant -128 : i32
    %and3A_410 = arith.andi %add3A_408, %and3A_409 : i32
    %multiple_of3A_411 = tpu.assume_multiple %and3A_410, 128 : i32
    %dma_start3A_412 = arith.constant 19 : i32
    %dma_start3A_413 = arith.constant 0 : i32
    %dma_start3A_414 = arith.constant 0 : i32
    %dma_start3A_415 = tpu.memref_slice %arg6[%dma_start3A_412, %dma_start3A_413, %dma_start3A_414] : memref<32x8x128xf32, #tpu.memory_space<vmem>> -> memref<1x8x128xf32, #tpu.memory_space<vmem>>
    %dma_start3A_416 = tpu.memref_squeeze %dma_start3A_415 : memref<1x8x128xf32, #tpu.memory_space<vmem>> -> memref<8x128xf32, #tpu.memory_space<vmem>>
    %dma_start3A_417 = tpu.memref_slice %arg2[%multiple_of3A_406, %multiple_of3A_411] : memref<100000x1024xf32, #tpu.memory_space<hbm>> -> memref<8x128xf32, #tpu.memory_space<hbm>>
    %dma_start3A_418 = arith.constant 0 : i32
    %dma_start3A_419 = arith.constant 0 : i32
    %dma_start3A_420 = tpu.memref_slice %arg6[%dma_start3A_412, %dma_start3A_418, %dma_start3A_419] : memref<32x8x128xf32, #tpu.memory_space<vmem>> -> memref<1x8x128xf32, #tpu.memory_space<vmem>>
    %dma_start3A_421 = tpu.memref_squeeze %dma_start3A_420 : memref<1x8x128xf32, #tpu.memory_space<vmem>> -> memref<8x128xf32, #tpu.memory_space<vmem>>
    %dma_start3A_422 = tpu.memref_slice %arg2[%multiple_of3A_406, %multiple_of3A_411] : memref<100000x1024xf32, #tpu.memory_space<hbm>> -> memref<8x128xf32, #tpu.memory_space<hbm>>
    tpu.enqueue_dma source(%dma_start3A_422 : memref<8x128xf32, #tpu.memory_space<hbm>>) target(%dma_start3A_421 : memref<8x128xf32, #tpu.memory_space<vmem>>) target_semaphore(%arg7 : memref<!tpu.dma_semaphore, #tpu.memory_space<semaphore_mem>>)
    %slice3A_423 = vector.extract_strided_slice %get3A_338 {offsets = [4], sizes = [1], strides = [1]} : vector<16xi32> to vector<1xi32>
    %squeeze3A_424 = vector.extract %slice3A_423[0] : i32 from vector<1xi32>
    %and3A_425 = arith.constant -8 : i32
    %and3A_426 = arith.andi %squeeze3A_424, %and3A_425 : i32
    %multiple_of3A_427 = tpu.assume_multiple %and3A_426, 8 : i32
    %add3A_428 = arith.constant 20 : i32
    %add3A_429 = arith.addi %mul3A_2, %add3A_428 : i32
    %and3A_430 = arith.constant -128 : i32
    %and3A_431 = arith.andi %add3A_429, %and3A_430 : i32
    %multiple_of3A_432 = tpu.assume_multiple %and3A_431, 128 : i32
    %dma_start3A_433 = arith.constant 20 : i32
    %dma_start3A_434 = arith.constant 0 : i32
    %dma_start3A_435 = arith.constant 0 : i32
    %dma_start3A_436 = tpu.memref_slice %arg6[%dma_start3A_433, %dma_start3A_434, %dma_start3A_435] : memref<32x8x128xf32, #tpu.memory_space<vmem>> -> memref<1x8x128xf32, #tpu.memory_space<vmem>>
    %dma_start3A_437 = tpu.memref_squeeze %dma_start3A_436 : memref<1x8x128xf32, #tpu.memory_space<vmem>> -> memref<8x128xf32, #tpu.memory_space<vmem>>
    %dma_start3A_438 = tpu.memref_slice %arg2[%multiple_of3A_427, %multiple_of3A_432] : memref<100000x1024xf32, #tpu.memory_space<hbm>> -> memref<8x128xf32, #tpu.memory_space<hbm>>
    %dma_start3A_439 = arith.constant 0 : i32
    %dma_start3A_440 = arith.constant 0 : i32
    %dma_start3A_441 = tpu.memref_slice %arg6[%dma_start3A_433, %dma_start3A_439, %dma_start3A_440] : memref<32x8x128xf32, #tpu.memory_space<vmem>> -> memref<1x8x128xf32, #tpu.memory_space<vmem>>
    %dma_start3A_442 = tpu.memref_squeeze %dma_start3A_441 : memref<1x8x128xf32, #tpu.memory_space<vmem>> -> memref<8x128xf32, #tpu.memory_space<vmem>>
    %dma_start3A_443 = tpu.memref_slice %arg2[%multiple_of3A_427, %multiple_of3A_432] : memref<100000x1024xf32, #tpu.memory_space<hbm>> -> memref<8x128xf32, #tpu.memory_space<hbm>>
    tpu.enqueue_dma source(%dma_start3A_443 : memref<8x128xf32, #tpu.memory_space<hbm>>) target(%dma_start3A_442 : memref<8x128xf32, #tpu.memory_space<vmem>>) target_semaphore(%arg7 : memref<!tpu.dma_semaphore, #tpu.memory_space<semaphore_mem>>)
    %slice3A_444 = vector.extract_strided_slice %get3A_338 {offsets = [5], sizes = [1], strides = [1]} : vector<16xi32> to vector<1xi32>
    %squeeze3A_445 = vector.extract %slice3A_444[0] : i32 from vector<1xi32>
    %and3A_446 = arith.constant -8 : i32
    %and3A_447 = arith.andi %squeeze3A_445, %and3A_446 : i32
    %multiple_of3A_448 = tpu.assume_multiple %and3A_447, 8 : i32
    %add3A_449 = arith.constant 21 : i32
    %add3A_450 = arith.addi %mul3A_2, %add3A_449 : i32
    %and3A_451 = arith.constant -128 : i32
    %and3A_452 = arith.andi %add3A_450, %and3A_451 : i32
    %multiple_of3A_453 = tpu.assume_multiple %and3A_452, 128 : i32
    %dma_start3A_454 = arith.constant 21 : i32
    %dma_start3A_455 = arith.constant 0 : i32
    %dma_start3A_456 = arith.constant 0 : i32
    %dma_start3A_457 = tpu.memref_slice %arg6[%dma_start3A_454, %dma_start3A_455, %dma_start3A_456] : memref<32x8x128xf32, #tpu.memory_space<vmem>> -> memref<1x8x128xf32, #tpu.memory_space<vmem>>
    %dma_start3A_458 = tpu.memref_squeeze %dma_start3A_457 : memref<1x8x128xf32, #tpu.memory_space<vmem>> -> memref<8x128xf32, #tpu.memory_space<vmem>>
    %dma_start3A_459 = tpu.memref_slice %arg2[%multiple_of3A_448, %multiple_of3A_453] : memref<100000x1024xf32, #tpu.memory_space<hbm>> -> memref<8x128xf32, #tpu.memory_space<hbm>>
    %dma_start3A_460 = arith.constant 0 : i32
    %dma_start3A_461 = arith.constant 0 : i32
    %dma_start3A_462 = tpu.memref_slice %arg6[%dma_start3A_454, %dma_start3A_460, %dma_start3A_461] : memref<32x8x128xf32, #tpu.memory_space<vmem>> -> memref<1x8x128xf32, #tpu.memory_space<vmem>>
    %dma_start3A_463 = tpu.memref_squeeze %dma_start3A_462 : memref<1x8x128xf32, #tpu.memory_space<vmem>> -> memref<8x128xf32, #tpu.memory_space<vmem>>
    %dma_start3A_464 = tpu.memref_slice %arg2[%multiple_of3A_448, %multiple_of3A_453] : memref<100000x1024xf32, #tpu.memory_space<hbm>> -> memref<8x128xf32, #tpu.memory_space<hbm>>
    tpu.enqueue_dma source(%dma_start3A_464 : memref<8x128xf32, #tpu.memory_space<hbm>>) target(%dma_start3A_463 : memref<8x128xf32, #tpu.memory_space<vmem>>) target_semaphore(%arg7 : memref<!tpu.dma_semaphore, #tpu.memory_space<semaphore_mem>>)
    %slice3A_465 = vector.extract_strided_slice %get3A_338 {offsets = [6], sizes = [1], strides = [1]} : vector<16xi32> to vector<1xi32>
    %squeeze3A_466 = vector.extract %slice3A_465[0] : i32 from vector<1xi32>
    %and3A_467 = arith.constant -8 : i32
    %and3A_468 = arith.andi %squeeze3A_466, %and3A_467 : i32
    %multiple_of3A_469 = tpu.assume_multiple %and3A_468, 8 : i32
    %add3A_470 = arith.constant 22 : i32
    %add3A_471 = arith.addi %mul3A_2, %add3A_470 : i32
    %and3A_472 = arith.constant -128 : i32
    %and3A_473 = arith.andi %add3A_471, %and3A_472 : i32
    %multiple_of3A_474 = tpu.assume_multiple %and3A_473, 128 : i32
    %dma_start3A_475 = arith.constant 22 : i32
    %dma_start3A_476 = arith.constant 0 : i32
    %dma_start3A_477 = arith.constant 0 : i32
    %dma_start3A_478 = tpu.memref_slice %arg6[%dma_start3A_475, %dma_start3A_476, %dma_start3A_477] : memref<32x8x128xf32, #tpu.memory_space<vmem>> -> memref<1x8x128xf32, #tpu.memory_space<vmem>>
    %dma_start3A_479 = tpu.memref_squeeze %dma_start3A_478 : memref<1x8x128xf32, #tpu.memory_space<vmem>> -> memref<8x128xf32, #tpu.memory_space<vmem>>
    %dma_start3A_480 = tpu.memref_slice %arg2[%multiple_of3A_469, %multiple_of3A_474] : memref<100000x1024xf32, #tpu.memory_space<hbm>> -> memref<8x128xf32, #tpu.memory_space<hbm>>
    %dma_start3A_481 = arith.constant 0 : i32
    %dma_start3A_482 = arith.constant 0 : i32
    %dma_start3A_483 = tpu.memref_slice %arg6[%dma_start3A_475, %dma_start3A_481, %dma_start3A_482] : memref<32x8x128xf32, #tpu.memory_space<vmem>> -> memref<1x8x128xf32, #tpu.memory_space<vmem>>
    %dma_start3A_484 = tpu.memref_squeeze %dma_start3A_483 : memref<1x8x128xf32, #tpu.memory_space<vmem>> -> memref<8x128xf32, #tpu.memory_space<vmem>>
    %dma_start3A_485 = tpu.memref_slice %arg2[%multiple_of3A_469, %multiple_of3A_474] : memref<100000x1024xf32, #tpu.memory_space<hbm>> -> memref<8x128xf32, #tpu.memory_space<hbm>>
    tpu.enqueue_dma source(%dma_start3A_485 : memref<8x128xf32, #tpu.memory_space<hbm>>) target(%dma_start3A_484 : memref<8x128xf32, #tpu.memory_space<vmem>>) target_semaphore(%arg7 : memref<!tpu.dma_semaphore, #tpu.memory_space<semaphore_mem>>)
    %slice3A_486 = vector.extract_strided_slice %get3A_338 {offsets = [7], sizes = [1], strides = [1]} : vector<16xi32> to vector<1xi32>
    %squeeze3A_487 = vector.extract %slice3A_486[0] : i32 from vector<1xi32>
    %and3A_488 = arith.constant -8 : i32
    %and3A_489 = arith.andi %squeeze3A_487, %and3A_488 : i32
    %multiple_of3A_490 = tpu.assume_multiple %and3A_489, 8 : i32
    %add3A_491 = arith.constant 23 : i32
    %add3A_492 = arith.addi %mul3A_2, %add3A_491 : i32
    %and3A_493 = arith.constant -128 : i32
    %and3A_494 = arith.andi %add3A_492, %and3A_493 : i32
    %multiple_of3A_495 = tpu.assume_multiple %and3A_494, 128 : i32
    %dma_start3A_496 = arith.constant 23 : i32
    %dma_start3A_497 = arith.constant 0 : i32
    %dma_start3A_498 = arith.constant 0 : i32
    %dma_start3A_499 = tpu.memref_slice %arg6[%dma_start3A_496, %dma_start3A_497, %dma_start3A_498] : memref<32x8x128xf32, #tpu.memory_space<vmem>> -> memref<1x8x128xf32, #tpu.memory_space<vmem>>
    %dma_start3A_500 = tpu.memref_squeeze %dma_start3A_499 : memref<1x8x128xf32, #tpu.memory_space<vmem>> -> memref<8x128xf32, #tpu.memory_space<vmem>>
    %dma_start3A_501 = tpu.memref_slice %arg2[%multiple_of3A_490, %multiple_of3A_495] : memref<100000x1024xf32, #tpu.memory_space<hbm>> -> memref<8x128xf32, #tpu.memory_space<hbm>>
    %dma_start3A_502 = arith.constant 0 : i32
    %dma_start3A_503 = arith.constant 0 : i32
    %dma_start3A_504 = tpu.memref_slice %arg6[%dma_start3A_496, %dma_start3A_502, %dma_start3A_503] : memref<32x8x128xf32, #tpu.memory_space<vmem>> -> memref<1x8x128xf32, #tpu.memory_space<vmem>>
    %dma_start3A_505 = tpu.memref_squeeze %dma_start3A_504 : memref<1x8x128xf32, #tpu.memory_space<vmem>> -> memref<8x128xf32, #tpu.memory_space<vmem>>
    %dma_start3A_506 = tpu.memref_slice %arg2[%multiple_of3A_490, %multiple_of3A_495] : memref<100000x1024xf32, #tpu.memory_space<hbm>> -> memref<8x128xf32, #tpu.memory_space<hbm>>
    tpu.enqueue_dma source(%dma_start3A_506 : memref<8x128xf32, #tpu.memory_space<hbm>>) target(%dma_start3A_505 : memref<8x128xf32, #tpu.memory_space<vmem>>) target_semaphore(%arg7 : memref<!tpu.dma_semaphore, #tpu.memory_space<semaphore_mem>>)
    %slice3A_507 = vector.extract_strided_slice %get3A_338 {offsets = [8], sizes = [1], strides = [1]} : vector<16xi32> to vector<1xi32>
    %squeeze3A_508 = vector.extract %slice3A_507[0] : i32 from vector<1xi32>
    %and3A_509 = arith.constant -8 : i32
    %and3A_510 = arith.andi %squeeze3A_508, %and3A_509 : i32
    %multiple_of3A_511 = tpu.assume_multiple %and3A_510, 8 : i32
    %add3A_512 = arith.constant 24 : i32
    %add3A_513 = arith.addi %mul3A_2, %add3A_512 : i32
    %and3A_514 = arith.constant -128 : i32
    %and3A_515 = arith.andi %add3A_513, %and3A_514 : i32
    %multiple_of3A_516 = tpu.assume_multiple %and3A_515, 128 : i32
    %dma_start3A_517 = arith.constant 24 : i32
    %dma_start3A_518 = arith.constant 0 : i32
    %dma_start3A_519 = arith.constant 0 : i32
    %dma_start3A_520 = tpu.memref_slice %arg6[%dma_start3A_517, %dma_start3A_518, %dma_start3A_519] : memref<32x8x128xf32, #tpu.memory_space<vmem>> -> memref<1x8x128xf32, #tpu.memory_space<vmem>>
    %dma_start3A_521 = tpu.memref_squeeze %dma_start3A_520 : memref<1x8x128xf32, #tpu.memory_space<vmem>> -> memref<8x128xf32, #tpu.memory_space<vmem>>
    %dma_start3A_522 = tpu.memref_slice %arg2[%multiple_of3A_511, %multiple_of3A_516] : memref<100000x1024xf32, #tpu.memory_space<hbm>> -> memref<8x128xf32, #tpu.memory_space<hbm>>
    %dma_start3A_523 = arith.constant 0 : i32
    %dma_start3A_524 = arith.constant 0 : i32
    %dma_start3A_525 = tpu.memref_slice %arg6[%dma_start3A_517, %dma_start3A_523, %dma_start3A_524] : memref<32x8x128xf32, #tpu.memory_space<vmem>> -> memref<1x8x128xf32, #tpu.memory_space<vmem>>
    %dma_start3A_526 = tpu.memref_squeeze %dma_start3A_525 : memref<1x8x128xf32, #tpu.memory_space<vmem>> -> memref<8x128xf32, #tpu.memory_space<vmem>>
    %dma_start3A_527 = tpu.memref_slice %arg2[%multiple_of3A_511, %multiple_of3A_516] : memref<100000x1024xf32, #tpu.memory_space<hbm>> -> memref<8x128xf32, #tpu.memory_space<hbm>>
    tpu.enqueue_dma source(%dma_start3A_527 : memref<8x128xf32, #tpu.memory_space<hbm>>) target(%dma_start3A_526 : memref<8x128xf32, #tpu.memory_space<vmem>>) target_semaphore(%arg7 : memref<!tpu.dma_semaphore, #tpu.memory_space<semaphore_mem>>)
    %slice3A_528 = vector.extract_strided_slice %get3A_338 {offsets = [9], sizes = [1], strides = [1]} : vector<16xi32> to vector<1xi32>
    %squeeze3A_529 = vector.extract %slice3A_528[0] : i32 from vector<1xi32>
    %and3A_530 = arith.constant -8 : i32
    %and3A_531 = arith.andi %squeeze3A_529, %and3A_530 : i32
    %multiple_of3A_532 = tpu.assume_multiple %and3A_531, 8 : i32
    %add3A_533 = arith.constant 25 : i32
    %add3A_534 = arith.addi %mul3A_2, %add3A_533 : i32
    %and3A_535 = arith.constant -128 : i32
    %and3A_536 = arith.andi %add3A_534, %and3A_535 : i32
    %multiple_of3A_537 = tpu.assume_multiple %and3A_536, 128 : i32
    %dma_start3A_538 = arith.constant 25 : i32
    %dma_start3A_539 = arith.constant 0 : i32
    %dma_start3A_540 = arith.constant 0 : i32
    %dma_start3A_541 = tpu.memref_slice %arg6[%dma_start3A_538, %dma_start3A_539, %dma_start3A_540] : memref<32x8x128xf32, #tpu.memory_space<vmem>> -> memref<1x8x128xf32, #tpu.memory_space<vmem>>
    %dma_start3A_542 = tpu.memref_squeeze %dma_start3A_541 : memref<1x8x128xf32, #tpu.memory_space<vmem>> -> memref<8x128xf32, #tpu.memory_space<vmem>>
    %dma_start3A_543 = tpu.memref_slice %arg2[%multiple_of3A_532, %multiple_of3A_537] : memref<100000x1024xf32, #tpu.memory_space<hbm>> -> memref<8x128xf32, #tpu.memory_space<hbm>>
    %dma_start3A_544 = arith.constant 0 : i32
    %dma_start3A_545 = arith.constant 0 : i32
    %dma_start3A_546 = tpu.memref_slice %arg6[%dma_start3A_538, %dma_start3A_544, %dma_start3A_545] : memref<32x8x128xf32, #tpu.memory_space<vmem>> -> memref<1x8x128xf32, #tpu.memory_space<vmem>>
    %dma_start3A_547 = tpu.memref_squeeze %dma_start3A_546 : memref<1x8x128xf32, #tpu.memory_space<vmem>> -> memref<8x128xf32, #tpu.memory_space<vmem>>
    %dma_start3A_548 = tpu.memref_slice %arg2[%multiple_of3A_532, %multiple_of3A_537] : memref<100000x1024xf32, #tpu.memory_space<hbm>> -> memref<8x128xf32, #tpu.memory_space<hbm>>
    tpu.enqueue_dma source(%dma_start3A_548 : memref<8x128xf32, #tpu.memory_space<hbm>>) target(%dma_start3A_547 : memref<8x128xf32, #tpu.memory_space<vmem>>) target_semaphore(%arg7 : memref<!tpu.dma_semaphore, #tpu.memory_space<semaphore_mem>>)
    %slice3A_549 = vector.extract_strided_slice %get3A_338 {offsets = [10], sizes = [1], strides = [1]} : vector<16xi32> to vector<1xi32>
    %squeeze3A_550 = vector.extract %slice3A_549[0] : i32 from vector<1xi32>
    %and3A_551 = arith.constant -8 : i32
    %and3A_552 = arith.andi %squeeze3A_550, %and3A_551 : i32
    %multiple_of3A_553 = tpu.assume_multiple %and3A_552, 8 : i32
    %add3A_554 = arith.constant 26 : i32
    %add3A_555 = arith.addi %mul3A_2, %add3A_554 : i32
    %and3A_556 = arith.constant -128 : i32
    %and3A_557 = arith.andi %add3A_555, %and3A_556 : i32
    %multiple_of3A_558 = tpu.assume_multiple %and3A_557, 128 : i32
    %dma_start3A_559 = arith.constant 26 : i32
    %dma_start3A_560 = arith.constant 0 : i32
    %dma_start3A_561 = arith.constant 0 : i32
    %dma_start3A_562 = tpu.memref_slice %arg6[%dma_start3A_559, %dma_start3A_560, %dma_start3A_561] : memref<32x8x128xf32, #tpu.memory_space<vmem>> -> memref<1x8x128xf32, #tpu.memory_space<vmem>>
    %dma_start3A_563 = tpu.memref_squeeze %dma_start3A_562 : memref<1x8x128xf32, #tpu.memory_space<vmem>> -> memref<8x128xf32, #tpu.memory_space<vmem>>
    %dma_start3A_564 = tpu.memref_slice %arg2[%multiple_of3A_553, %multiple_of3A_558] : memref<100000x1024xf32, #tpu.memory_space<hbm>> -> memref<8x128xf32, #tpu.memory_space<hbm>>
    %dma_start3A_565 = arith.constant 0 : i32
    %dma_start3A_566 = arith.constant 0 : i32
    %dma_start3A_567 = tpu.memref_slice %arg6[%dma_start3A_559, %dma_start3A_565, %dma_start3A_566] : memref<32x8x128xf32, #tpu.memory_space<vmem>> -> memref<1x8x128xf32, #tpu.memory_space<vmem>>
    %dma_start3A_568 = tpu.memref_squeeze %dma_start3A_567 : memref<1x8x128xf32, #tpu.memory_space<vmem>> -> memref<8x128xf32, #tpu.memory_space<vmem>>
    %dma_start3A_569 = tpu.memref_slice %arg2[%multiple_of3A_553, %multiple_of3A_558] : memref<100000x1024xf32, #tpu.memory_space<hbm>> -> memref<8x128xf32, #tpu.memory_space<hbm>>
    tpu.enqueue_dma source(%dma_start3A_569 : memref<8x128xf32, #tpu.memory_space<hbm>>) target(%dma_start3A_568 : memref<8x128xf32, #tpu.memory_space<vmem>>) target_semaphore(%arg7 : memref<!tpu.dma_semaphore, #tpu.memory_space<semaphore_mem>>)
    %slice3A_570 = vector.extract_strided_slice %get3A_338 {offsets = [11], sizes = [1], strides = [1]} : vector<16xi32> to vector<1xi32>
    %squeeze3A_571 = vector.extract %slice3A_570[0] : i32 from vector<1xi32>
    %and3A_572 = arith.constant -8 : i32
    %and3A_573 = arith.andi %squeeze3A_571, %and3A_572 : i32
    %multiple_of3A_574 = tpu.assume_multiple %and3A_573, 8 : i32
    %add3A_575 = arith.constant 27 : i32
    %add3A_576 = arith.addi %mul3A_2, %add3A_575 : i32
    %and3A_577 = arith.constant -128 : i32
    %and3A_578 = arith.andi %add3A_576, %and3A_577 : i32
    %multiple_of3A_579 = tpu.assume_multiple %and3A_578, 128 : i32
    %dma_start3A_580 = arith.constant 27 : i32
    %dma_start3A_581 = arith.constant 0 : i32
    %dma_start3A_582 = arith.constant 0 : i32
    %dma_start3A_583 = tpu.memref_slice %arg6[%dma_start3A_580, %dma_start3A_581, %dma_start3A_582] : memref<32x8x128xf32, #tpu.memory_space<vmem>> -> memref<1x8x128xf32, #tpu.memory_space<vmem>>
    %dma_start3A_584 = tpu.memref_squeeze %dma_start3A_583 : memref<1x8x128xf32, #tpu.memory_space<vmem>> -> memref<8x128xf32, #tpu.memory_space<vmem>>
    %dma_start3A_585 = tpu.memref_slice %arg2[%multiple_of3A_574, %multiple_of3A_579] : memref<100000x1024xf32, #tpu.memory_space<hbm>> -> memref<8x128xf32, #tpu.memory_space<hbm>>
    %dma_start3A_586 = arith.constant 0 : i32
    %dma_start3A_587 = arith.constant 0 : i32
    %dma_start3A_588 = tpu.memref_slice %arg6[%dma_start3A_580, %dma_start3A_586, %dma_start3A_587] : memref<32x8x128xf32, #tpu.memory_space<vmem>> -> memref<1x8x128xf32, #tpu.memory_space<vmem>>
    %dma_start3A_589 = tpu.memref_squeeze %dma_start3A_588 : memref<1x8x128xf32, #tpu.memory_space<vmem>> -> memref<8x128xf32, #tpu.memory_space<vmem>>
    %dma_start3A_590 = tpu.memref_slice %arg2[%multiple_of3A_574, %multiple_of3A_579] : memref<100000x1024xf32, #tpu.memory_space<hbm>> -> memref<8x128xf32, #tpu.memory_space<hbm>>
    tpu.enqueue_dma source(%dma_start3A_590 : memref<8x128xf32, #tpu.memory_space<hbm>>) target(%dma_start3A_589 : memref<8x128xf32, #tpu.memory_space<vmem>>) target_semaphore(%arg7 : memref<!tpu.dma_semaphore, #tpu.memory_space<semaphore_mem>>)
    %slice3A_591 = vector.extract_strided_slice %get3A_338 {offsets = [12], sizes = [1], strides = [1]} : vector<16xi32> to vector<1xi32>
    %squeeze3A_592 = vector.extract %slice3A_591[0] : i32 from vector<1xi32>
    %and3A_593 = arith.constant -8 : i32
    %and3A_594 = arith.andi %squeeze3A_592, %and3A_593 : i32
    %multiple_of3A_595 = tpu.assume_multiple %and3A_594, 8 : i32
    %add3A_596 = arith.constant 28 : i32
    %add3A_597 = arith.addi %mul3A_2, %add3A_596 : i32
    %and3A_598 = arith.constant -128 : i32
    %and3A_599 = arith.andi %add3A_597, %and3A_598 : i32
    %multiple_of3A_600 = tpu.assume_multiple %and3A_599, 128 : i32
    %dma_start3A_601 = arith.constant 28 : i32
    %dma_start3A_602 = arith.constant 0 : i32
    %dma_start3A_603 = arith.constant 0 : i32
    %dma_start3A_604 = tpu.memref_slice %arg6[%dma_start3A_601, %dma_start3A_602, %dma_start3A_603] : memref<32x8x128xf32, #tpu.memory_space<vmem>> -> memref<1x8x128xf32, #tpu.memory_space<vmem>>
    %dma_start3A_605 = tpu.memref_squeeze %dma_start3A_604 : memref<1x8x128xf32, #tpu.memory_space<vmem>> -> memref<8x128xf32, #tpu.memory_space<vmem>>
    %dma_start3A_606 = tpu.memref_slice %arg2[%multiple_of3A_595, %multiple_of3A_600] : memref<100000x1024xf32, #tpu.memory_space<hbm>> -> memref<8x128xf32, #tpu.memory_space<hbm>>
    %dma_start3A_607 = arith.constant 0 : i32
    %dma_start3A_608 = arith.constant 0 : i32
    %dma_start3A_609 = tpu.memref_slice %arg6[%dma_start3A_601, %dma_start3A_607, %dma_start3A_608] : memref<32x8x128xf32, #tpu.memory_space<vmem>> -> memref<1x8x128xf32, #tpu.memory_space<vmem>>
    %dma_start3A_610 = tpu.memref_squeeze %dma_start3A_609 : memref<1x8x128xf32, #tpu.memory_space<vmem>> -> memref<8x128xf32, #tpu.memory_space<vmem>>
    %dma_start3A_611 = tpu.memref_slice %arg2[%multiple_of3A_595, %multiple_of3A_600] : memref<100000x1024xf32, #tpu.memory_space<hbm>> -> memref<8x128xf32, #tpu.memory_space<hbm>>
    tpu.enqueue_dma source(%dma_start3A_611 : memref<8x128xf32, #tpu.memory_space<hbm>>) target(%dma_start3A_610 : memref<8x128xf32, #tpu.memory_space<vmem>>) target_semaphore(%arg7 : memref<!tpu.dma_semaphore, #tpu.memory_space<semaphore_mem>>)
    %slice3A_612 = vector.extract_strided_slice %get3A_338 {offsets = [13], sizes = [1], strides = [1]} : vector<16xi32> to vector<1xi32>
    %squeeze3A_613 = vector.extract %slice3A_612[0] : i32 from vector<1xi32>
    %and3A_614 = arith.constant -8 : i32
    %and3A_615 = arith.andi %squeeze3A_613, %and3A_614 : i32
    %multiple_of3A_616 = tpu.assume_multiple %and3A_615, 8 : i32
    %add3A_617 = arith.constant 29 : i32
    %add3A_618 = arith.addi %mul3A_2, %add3A_617 : i32
    %and3A_619 = arith.constant -128 : i32
    %and3A_620 = arith.andi %add3A_618, %and3A_619 : i32
    %multiple_of3A_621 = tpu.assume_multiple %and3A_620, 128 : i32
    %dma_start3A_622 = arith.constant 29 : i32
    %dma_start3A_623 = arith.constant 0 : i32
    %dma_start3A_624 = arith.constant 0 : i32
    %dma_start3A_625 = tpu.memref_slice %arg6[%dma_start3A_622, %dma_start3A_623, %dma_start3A_624] : memref<32x8x128xf32, #tpu.memory_space<vmem>> -> memref<1x8x128xf32, #tpu.memory_space<vmem>>
    %dma_start3A_626 = tpu.memref_squeeze %dma_start3A_625 : memref<1x8x128xf32, #tpu.memory_space<vmem>> -> memref<8x128xf32, #tpu.memory_space<vmem>>
    %dma_start3A_627 = tpu.memref_slice %arg2[%multiple_of3A_616, %multiple_of3A_621] : memref<100000x1024xf32, #tpu.memory_space<hbm>> -> memref<8x128xf32, #tpu.memory_space<hbm>>
    %dma_start3A_628 = arith.constant 0 : i32
    %dma_start3A_629 = arith.constant 0 : i32
    %dma_start3A_630 = tpu.memref_slice %arg6[%dma_start3A_622, %dma_start3A_628, %dma_start3A_629] : memref<32x8x128xf32, #tpu.memory_space<vmem>> -> memref<1x8x128xf32, #tpu.memory_space<vmem>>
    %dma_start3A_631 = tpu.memref_squeeze %dma_start3A_630 : memref<1x8x128xf32, #tpu.memory_space<vmem>> -> memref<8x128xf32, #tpu.memory_space<vmem>>
    %dma_start3A_632 = tpu.memref_slice %arg2[%multiple_of3A_616, %multiple_of3A_621] : memref<100000x1024xf32, #tpu.memory_space<hbm>> -> memref<8x128xf32, #tpu.memory_space<hbm>>
    tpu.enqueue_dma source(%dma_start3A_632 : memref<8x128xf32, #tpu.memory_space<hbm>>) target(%dma_start3A_631 : memref<8x128xf32, #tpu.memory_space<vmem>>) target_semaphore(%arg7 : memref<!tpu.dma_semaphore, #tpu.memory_space<semaphore_mem>>)
    %slice3A_633 = vector.extract_strided_slice %get3A_338 {offsets = [14], sizes = [1], strides = [1]} : vector<16xi32> to vector<1xi32>
    %squeeze3A_634 = vector.extract %slice3A_633[0] : i32 from vector<1xi32>
    %and3A_635 = arith.constant -8 : i32
    %and3A_636 = arith.andi %squeeze3A_634, %and3A_635 : i32
    %multiple_of3A_637 = tpu.assume_multiple %and3A_636, 8 : i32
    %add3A_638 = arith.constant 30 : i32
    %add3A_639 = arith.addi %mul3A_2, %add3A_638 : i32
    %and3A_640 = arith.constant -128 : i32
    %and3A_641 = arith.andi %add3A_639, %and3A_640 : i32
    %multiple_of3A_642 = tpu.assume_multiple %and3A_641, 128 : i32
    %dma_start3A_643 = arith.constant 30 : i32
    %dma_start3A_644 = arith.constant 0 : i32
    %dma_start3A_645 = arith.constant 0 : i32
    %dma_start3A_646 = tpu.memref_slice %arg6[%dma_start3A_643, %dma_start3A_644, %dma_start3A_645] : memref<32x8x128xf32, #tpu.memory_space<vmem>> -> memref<1x8x128xf32, #tpu.memory_space<vmem>>
    %dma_start3A_647 = tpu.memref_squeeze %dma_start3A_646 : memref<1x8x128xf32, #tpu.memory_space<vmem>> -> memref<8x128xf32, #tpu.memory_space<vmem>>
    %dma_start3A_648 = tpu.memref_slice %arg2[%multiple_of3A_637, %multiple_of3A_642] : memref<100000x1024xf32, #tpu.memory_space<hbm>> -> memref<8x128xf32, #tpu.memory_space<hbm>>
    %dma_start3A_649 = arith.constant 0 : i32
    %dma_start3A_650 = arith.constant 0 : i32
    %dma_start3A_651 = tpu.memref_slice %arg6[%dma_start3A_643, %dma_start3A_649, %dma_start3A_650] : memref<32x8x128xf32, #tpu.memory_space<vmem>> -> memref<1x8x128xf32, #tpu.memory_space<vmem>>
    %dma_start3A_652 = tpu.memref_squeeze %dma_start3A_651 : memref<1x8x128xf32, #tpu.memory_space<vmem>> -> memref<8x128xf32, #tpu.memory_space<vmem>>
    %dma_start3A_653 = tpu.memref_slice %arg2[%multiple_of3A_637, %multiple_of3A_642] : memref<100000x1024xf32, #tpu.memory_space<hbm>> -> memref<8x128xf32, #tpu.memory_space<hbm>>
    tpu.enqueue_dma source(%dma_start3A_653 : memref<8x128xf32, #tpu.memory_space<hbm>>) target(%dma_start3A_652 : memref<8x128xf32, #tpu.memory_space<vmem>>) target_semaphore(%arg7 : memref<!tpu.dma_semaphore, #tpu.memory_space<semaphore_mem>>)
    %slice3A_654 = vector.extract_strided_slice %get3A_338 {offsets = [15], sizes = [1], strides = [1]} : vector<16xi32> to vector<1xi32>
    %squeeze3A_655 = vector.extract %slice3A_654[0] : i32 from vector<1xi32>
    %and3A_656 = arith.constant -8 : i32
    %and3A_657 = arith.andi %squeeze3A_655, %and3A_656 : i32
    %multiple_of3A_658 = tpu.assume_multiple %and3A_657, 8 : i32
    %add3A_659 = arith.constant 31 : i32
    %add3A_660 = arith.addi %mul3A_2, %add3A_659 : i32
    %and3A_661 = arith.constant -128 : i32
    %and3A_662 = arith.andi %add3A_660, %and3A_661 : i32
    %multiple_of3A_663 = tpu.assume_multiple %and3A_662, 128 : i32
    %dma_start3A_664 = arith.constant 31 : i32
    %dma_start3A_665 = arith.constant 0 : i32
    %dma_start3A_666 = arith.constant 0 : i32
    %dma_start3A_667 = tpu.memref_slice %arg6[%dma_start3A_664, %dma_start3A_665, %dma_start3A_666] : memref<32x8x128xf32, #tpu.memory_space<vmem>> -> memref<1x8x128xf32, #tpu.memory_space<vmem>>
    %dma_start3A_668 = tpu.memref_squeeze %dma_start3A_667 : memref<1x8x128xf32, #tpu.memory_space<vmem>> -> memref<8x128xf32, #tpu.memory_space<vmem>>
    %dma_start3A_669 = tpu.memref_slice %arg2[%multiple_of3A_658, %multiple_of3A_663] : memref<100000x1024xf32, #tpu.memory_space<hbm>> -> memref<8x128xf32, #tpu.memory_space<hbm>>
    %dma_start3A_670 = arith.constant 0 : i32
    %dma_start3A_671 = arith.constant 0 : i32
    %dma_start3A_672 = tpu.memref_slice %arg6[%dma_start3A_664, %dma_start3A_670, %dma_start3A_671] : memref<32x8x128xf32, #tpu.memory_space<vmem>> -> memref<1x8x128xf32, #tpu.memory_space<vmem>>
    %dma_start3A_673 = tpu.memref_squeeze %dma_start3A_672 : memref<1x8x128xf32, #tpu.memory_space<vmem>> -> memref<8x128xf32, #tpu.memory_space<vmem>>
    %dma_start3A_674 = tpu.memref_slice %arg2[%multiple_of3A_658, %multiple_of3A_663] : memref<100000x1024xf32, #tpu.memory_space<hbm>> -> memref<8x128xf32, #tpu.memory_space<hbm>>
    tpu.enqueue_dma source(%dma_start3A_674 : memref<8x128xf32, #tpu.memory_space<hbm>>) target(%dma_start3A_673 : memref<8x128xf32, #tpu.memory_space<vmem>>) target_semaphore(%arg7 : memref<!tpu.dma_semaphore, #tpu.memory_space<semaphore_mem>>)
    %dma_wait3A = arith.constant 0 : i32
    %dma_wait3A_675 = arith.constant 0 : i32
    %dma_wait3A_676 = arith.constant 0 : i32
    %dma_wait3A_677 = tpu.memref_slice %arg6[%dma_wait3A, %dma_wait3A_675, %dma_wait3A_676] : memref<32x8x128xf32, #tpu.memory_space<vmem>> -> memref<1x8x128xf32, #tpu.memory_space<vmem>>
    %dma_wait3A_678 = tpu.memref_squeeze %dma_wait3A_677 : memref<1x8x128xf32, #tpu.memory_space<vmem>> -> memref<8x128xf32, #tpu.memory_space<vmem>>
    %dma_wait3A_679 = tpu.memref_slice %arg2[%multiple_of3A, %multiple_of3A_10] : memref<100000x1024xf32, #tpu.memory_space<hbm>> -> memref<8x128xf32, #tpu.memory_space<hbm>>
    %dma_wait3A_680 = arith.constant 0 : i32
    %dma_wait3A_681 = arith.constant 0 : i32
    %dma_wait3A_682 = tpu.memref_slice %arg6[%dma_wait3A, %dma_wait3A_680, %dma_wait3A_681] : memref<32x8x128xf32, #tpu.memory_space<vmem>> -> memref<1x8x128xf32, #tpu.memory_space<vmem>>
    %dma_wait3A_683 = tpu.memref_squeeze %dma_wait3A_682 : memref<1x8x128xf32, #tpu.memory_space<vmem>> -> memref<8x128xf32, #tpu.memory_space<vmem>>
    %dma_wait3A_684 = tpu.memref_slice %arg2[%multiple_of3A, %multiple_of3A_10] : memref<100000x1024xf32, #tpu.memory_space<hbm>> -> memref<8x128xf32, #tpu.memory_space<hbm>>
    tpu.wait_dma2 semaphore(%arg7 : memref<!tpu.dma_semaphore, #tpu.memory_space<semaphore_mem>>) src(%dma_wait3A_684 : memref<8x128xf32, #tpu.memory_space<hbm>>) dst(%dma_wait3A_683 : memref<8x128xf32, #tpu.memory_space<vmem>>)
    %dma_wait3A_685 = arith.constant 1 : i32
    %dma_wait3A_686 = arith.constant 0 : i32
    %dma_wait3A_687 = arith.constant 0 : i32
    %dma_wait3A_688 = tpu.memref_slice %arg6[%dma_wait3A_685, %dma_wait3A_686, %dma_wait3A_687] : memref<32x8x128xf32, #tpu.memory_space<vmem>> -> memref<1x8x128xf32, #tpu.memory_space<vmem>>
    %dma_wait3A_689 = tpu.memref_squeeze %dma_wait3A_688 : memref<1x8x128xf32, #tpu.memory_space<vmem>> -> memref<8x128xf32, #tpu.memory_space<vmem>>
    %dma_wait3A_690 = tpu.memref_slice %arg2[%multiple_of3A_25, %multiple_of3A_30] : memref<100000x1024xf32, #tpu.memory_space<hbm>> -> memref<8x128xf32, #tpu.memory_space<hbm>>
    %dma_wait3A_691 = arith.constant 0 : i32
    %dma_wait3A_692 = arith.constant 0 : i32
    %dma_wait3A_693 = tpu.memref_slice %arg6[%dma_wait3A_685, %dma_wait3A_691, %dma_wait3A_692] : memref<32x8x128xf32, #tpu.memory_space<vmem>> -> memref<1x8x128xf32, #tpu.memory_space<vmem>>
    %dma_wait3A_694 = tpu.memref_squeeze %dma_wait3A_693 : memref<1x8x128xf32, #tpu.memory_space<vmem>> -> memref<8x128xf32, #tpu.memory_space<vmem>>
    %dma_wait3A_695 = tpu.memref_slice %arg2[%multiple_of3A_25, %multiple_of3A_30] : memref<100000x1024xf32, #tpu.memory_space<hbm>> -> memref<8x128xf32, #tpu.memory_space<hbm>>
    tpu.wait_dma2 semaphore(%arg7 : memref<!tpu.dma_semaphore, #tpu.memory_space<semaphore_mem>>) src(%dma_wait3A_695 : memref<8x128xf32, #tpu.memory_space<hbm>>) dst(%dma_wait3A_694 : memref<8x128xf32, #tpu.memory_space<vmem>>)
    %dma_wait3A_696 = arith.constant 2 : i32
    %dma_wait3A_697 = arith.constant 0 : i32
    %dma_wait3A_698 = arith.constant 0 : i32
    %dma_wait3A_699 = tpu.memref_slice %arg6[%dma_wait3A_696, %dma_wait3A_697, %dma_wait3A_698] : memref<32x8x128xf32, #tpu.memory_space<vmem>> -> memref<1x8x128xf32, #tpu.memory_space<vmem>>
    %dma_wait3A_700 = tpu.memref_squeeze %dma_wait3A_699 : memref<1x8x128xf32, #tpu.memory_space<vmem>> -> memref<8x128xf32, #tpu.memory_space<vmem>>
    %dma_wait3A_701 = tpu.memref_slice %arg2[%multiple_of3A_46, %multiple_of3A_51] : memref<100000x1024xf32, #tpu.memory_space<hbm>> -> memref<8x128xf32, #tpu.memory_space<hbm>>
    %dma_wait3A_702 = arith.constant 0 : i32
    %dma_wait3A_703 = arith.constant 0 : i32
    %dma_wait3A_704 = tpu.memref_slice %arg6[%dma_wait3A_696, %dma_wait3A_702, %dma_wait3A_703] : memref<32x8x128xf32, #tpu.memory_space<vmem>> -> memref<1x8x128xf32, #tpu.memory_space<vmem>>
    %dma_wait3A_705 = tpu.memref_squeeze %dma_wait3A_704 : memref<1x8x128xf32, #tpu.memory_space<vmem>> -> memref<8x128xf32, #tpu.memory_space<vmem>>
    %dma_wait3A_706 = tpu.memref_slice %arg2[%multiple_of3A_46, %multiple_of3A_51] : memref<100000x1024xf32, #tpu.memory_space<hbm>> -> memref<8x128xf32, #tpu.memory_space<hbm>>
    tpu.wait_dma2 semaphore(%arg7 : memref<!tpu.dma_semaphore, #tpu.memory_space<semaphore_mem>>) src(%dma_wait3A_706 : memref<8x128xf32, #tpu.memory_space<hbm>>) dst(%dma_wait3A_705 : memref<8x128xf32, #tpu.memory_space<vmem>>)
    %dma_wait3A_707 = arith.constant 3 : i32
    %dma_wait3A_708 = arith.constant 0 : i32
    %dma_wait3A_709 = arith.constant 0 : i32
    %dma_wait3A_710 = tpu.memref_slice %arg6[%dma_wait3A_707, %dma_wait3A_708, %dma_wait3A_709] : memref<32x8x128xf32, #tpu.memory_space<vmem>> -> memref<1x8x128xf32, #tpu.memory_space<vmem>>
    %dma_wait3A_711 = tpu.memref_squeeze %dma_wait3A_710 : memref<1x8x128xf32, #tpu.memory_space<vmem>> -> memref<8x128xf32, #tpu.memory_space<vmem>>
    %dma_wait3A_712 = tpu.memref_slice %arg2[%multiple_of3A_67, %multiple_of3A_72] : memref<100000x1024xf32, #tpu.memory_space<hbm>> -> memref<8x128xf32, #tpu.memory_space<hbm>>
    %dma_wait3A_713 = arith.constant 0 : i32
    %dma_wait3A_714 = arith.constant 0 : i32
    %dma_wait3A_715 = tpu.memref_slice %arg6[%dma_wait3A_707, %dma_wait3A_713, %dma_wait3A_714] : memref<32x8x128xf32, #tpu.memory_space<vmem>> -> memref<1x8x128xf32, #tpu.memory_space<vmem>>
    %dma_wait3A_716 = tpu.memref_squeeze %dma_wait3A_715 : memref<1x8x128xf32, #tpu.memory_space<vmem>> -> memref<8x128xf32, #tpu.memory_space<vmem>>
    %dma_wait3A_717 = tpu.memref_slice %arg2[%multiple_of3A_67, %multiple_of3A_72] : memref<100000x1024xf32, #tpu.memory_space<hbm>> -> memref<8x128xf32, #tpu.memory_space<hbm>>
    tpu.wait_dma2 semaphore(%arg7 : memref<!tpu.dma_semaphore, #tpu.memory_space<semaphore_mem>>) src(%dma_wait3A_717 : memref<8x128xf32, #tpu.memory_space<hbm>>) dst(%dma_wait3A_716 : memref<8x128xf32, #tpu.memory_space<vmem>>)
    %dma_wait3A_718 = arith.constant 4 : i32
    %dma_wait3A_719 = arith.constant 0 : i32
    %dma_wait3A_720 = arith.constant 0 : i32
    %dma_wait3A_721 = tpu.memref_slice %arg6[%dma_wait3A_718, %dma_wait3A_719, %dma_wait3A_720] : memref<32x8x128xf32, #tpu.memory_space<vmem>> -> memref<1x8x128xf32, #tpu.memory_space<vmem>>
    %dma_wait3A_722 = tpu.memref_squeeze %dma_wait3A_721 : memref<1x8x128xf32, #tpu.memory_space<vmem>> -> memref<8x128xf32, #tpu.memory_space<vmem>>
    %dma_wait3A_723 = tpu.memref_slice %arg2[%multiple_of3A_88, %multiple_of3A_93] : memref<100000x1024xf32, #tpu.memory_space<hbm>> -> memref<8x128xf32, #tpu.memory_space<hbm>>
    %dma_wait3A_724 = arith.constant 0 : i32
    %dma_wait3A_725 = arith.constant 0 : i32
    %dma_wait3A_726 = tpu.memref_slice %arg6[%dma_wait3A_718, %dma_wait3A_724, %dma_wait3A_725] : memref<32x8x128xf32, #tpu.memory_space<vmem>> -> memref<1x8x128xf32, #tpu.memory_space<vmem>>
    %dma_wait3A_727 = tpu.memref_squeeze %dma_wait3A_726 : memref<1x8x128xf32, #tpu.memory_space<vmem>> -> memref<8x128xf32, #tpu.memory_space<vmem>>
    %dma_wait3A_728 = tpu.memref_slice %arg2[%multiple_of3A_88, %multiple_of3A_93] : memref<100000x1024xf32, #tpu.memory_space<hbm>> -> memref<8x128xf32, #tpu.memory_space<hbm>>
    tpu.wait_dma2 semaphore(%arg7 : memref<!tpu.dma_semaphore, #tpu.memory_space<semaphore_mem>>) src(%dma_wait3A_728 : memref<8x128xf32, #tpu.memory_space<hbm>>) dst(%dma_wait3A_727 : memref<8x128xf32, #tpu.memory_space<vmem>>)
    %dma_wait3A_729 = arith.constant 5 : i32
    %dma_wait3A_730 = arith.constant 0 : i32
    %dma_wait3A_731 = arith.constant 0 : i32
    %dma_wait3A_732 = tpu.memref_slice %arg6[%dma_wait3A_729, %dma_wait3A_730, %dma_wait3A_731] : memref<32x8x128xf32, #tpu.memory_space<vmem>> -> memref<1x8x128xf32, #tpu.memory_space<vmem>>
    %dma_wait3A_733 = tpu.memref_squeeze %dma_wait3A_732 : memref<1x8x128xf32, #tpu.memory_space<vmem>> -> memref<8x128xf32, #tpu.memory_space<vmem>>
    %dma_wait3A_734 = tpu.memref_slice %arg2[%multiple_of3A_109, %multiple_of3A_114] : memref<100000x1024xf32, #tpu.memory_space<hbm>> -> memref<8x128xf32, #tpu.memory_space<hbm>>
    %dma_wait3A_735 = arith.constant 0 : i32
    %dma_wait3A_736 = arith.constant 0 : i32
    %dma_wait3A_737 = tpu.memref_slice %arg6[%dma_wait3A_729, %dma_wait3A_735, %dma_wait3A_736] : memref<32x8x128xf32, #tpu.memory_space<vmem>> -> memref<1x8x128xf32, #tpu.memory_space<vmem>>
    %dma_wait3A_738 = tpu.memref_squeeze %dma_wait3A_737 : memref<1x8x128xf32, #tpu.memory_space<vmem>> -> memref<8x128xf32, #tpu.memory_space<vmem>>
    %dma_wait3A_739 = tpu.memref_slice %arg2[%multiple_of3A_109, %multiple_of3A_114] : memref<100000x1024xf32, #tpu.memory_space<hbm>> -> memref<8x128xf32, #tpu.memory_space<hbm>>
    tpu.wait_dma2 semaphore(%arg7 : memref<!tpu.dma_semaphore, #tpu.memory_space<semaphore_mem>>) src(%dma_wait3A_739 : memref<8x128xf32, #tpu.memory_space<hbm>>) dst(%dma_wait3A_738 : memref<8x128xf32, #tpu.memory_space<vmem>>)
    %dma_wait3A_740 = arith.constant 6 : i32
    %dma_wait3A_741 = arith.constant 0 : i32
    %dma_wait3A_742 = arith.constant 0 : i32
    %dma_wait3A_743 = tpu.memref_slice %arg6[%dma_wait3A_740, %dma_wait3A_741, %dma_wait3A_742] : memref<32x8x128xf32, #tpu.memory_space<vmem>> -> memref<1x8x128xf32, #tpu.memory_space<vmem>>
    %dma_wait3A_744 = tpu.memref_squeeze %dma_wait3A_743 : memref<1x8x128xf32, #tpu.memory_space<vmem>> -> memref<8x128xf32, #tpu.memory_space<vmem>>
    %dma_wait3A_745 = tpu.memref_slice %arg2[%multiple_of3A_130, %multiple_of3A_135] : memref<100000x1024xf32, #tpu.memory_space<hbm>> -> memref<8x128xf32, #tpu.memory_space<hbm>>
    %dma_wait3A_746 = arith.constant 0 : i32
    %dma_wait3A_747 = arith.constant 0 : i32
    %dma_wait3A_748 = tpu.memref_slice %arg6[%dma_wait3A_740, %dma_wait3A_746, %dma_wait3A_747] : memref<32x8x128xf32, #tpu.memory_space<vmem>> -> memref<1x8x128xf32, #tpu.memory_space<vmem>>
    %dma_wait3A_749 = tpu.memref_squeeze %dma_wait3A_748 : memref<1x8x128xf32, #tpu.memory_space<vmem>> -> memref<8x128xf32, #tpu.memory_space<vmem>>
    %dma_wait3A_750 = tpu.memref_slice %arg2[%multiple_of3A_130, %multiple_of3A_135] : memref<100000x1024xf32, #tpu.memory_space<hbm>> -> memref<8x128xf32, #tpu.memory_space<hbm>>
    tpu.wait_dma2 semaphore(%arg7 : memref<!tpu.dma_semaphore, #tpu.memory_space<semaphore_mem>>) src(%dma_wait3A_750 : memref<8x128xf32, #tpu.memory_space<hbm>>) dst(%dma_wait3A_749 : memref<8x128xf32, #tpu.memory_space<vmem>>)
    %dma_wait3A_751 = arith.constant 7 : i32
    %dma_wait3A_752 = arith.constant 0 : i32
    %dma_wait3A_753 = arith.constant 0 : i32
    %dma_wait3A_754 = tpu.memref_slice %arg6[%dma_wait3A_751, %dma_wait3A_752, %dma_wait3A_753] : memref<32x8x128xf32, #tpu.memory_space<vmem>> -> memref<1x8x128xf32, #tpu.memory_space<vmem>>
    %dma_wait3A_755 = tpu.memref_squeeze %dma_wait3A_754 : memref<1x8x128xf32, #tpu.memory_space<vmem>> -> memref<8x128xf32, #tpu.memory_space<vmem>>
    %dma_wait3A_756 = tpu.memref_slice %arg2[%multiple_of3A_151, %multiple_of3A_156] : memref<100000x1024xf32, #tpu.memory_space<hbm>> -> memref<8x128xf32, #tpu.memory_space<hbm>>
    %dma_wait3A_757 = arith.constant 0 : i32
    %dma_wait3A_758 = arith.constant 0 : i32
    %dma_wait3A_759 = tpu.memref_slice %arg6[%dma_wait3A_751, %dma_wait3A_757, %dma_wait3A_758] : memref<32x8x128xf32, #tpu.memory_space<vmem>> -> memref<1x8x128xf32, #tpu.memory_space<vmem>>
    %dma_wait3A_760 = tpu.memref_squeeze %dma_wait3A_759 : memref<1x8x128xf32, #tpu.memory_space<vmem>> -> memref<8x128xf32, #tpu.memory_space<vmem>>
    %dma_wait3A_761 = tpu.memref_slice %arg2[%multiple_of3A_151, %multiple_of3A_156] : memref<100000x1024xf32, #tpu.memory_space<hbm>> -> memref<8x128xf32, #tpu.memory_space<hbm>>
    tpu.wait_dma2 semaphore(%arg7 : memref<!tpu.dma_semaphore, #tpu.memory_space<semaphore_mem>>) src(%dma_wait3A_761 : memref<8x128xf32, #tpu.memory_space<hbm>>) dst(%dma_wait3A_760 : memref<8x128xf32, #tpu.memory_space<vmem>>)
    %dma_wait3A_762 = arith.constant 8 : i32
    %dma_wait3A_763 = arith.constant 0 : i32
    %dma_wait3A_764 = arith.constant 0 : i32
    %dma_wait3A_765 = tpu.memref_slice %arg6[%dma_wait3A_762, %dma_wait3A_763, %dma_wait3A_764] : memref<32x8x128xf32, #tpu.memory_space<vmem>> -> memref<1x8x128xf32, #tpu.memory_space<vmem>>
    %dma_wait3A_766 = tpu.memref_squeeze %dma_wait3A_765 : memref<1x8x128xf32, #tpu.memory_space<vmem>> -> memref<8x128xf32, #tpu.memory_space<vmem>>
    %dma_wait3A_767 = tpu.memref_slice %arg2[%multiple_of3A_172, %multiple_of3A_177] : memref<100000x1024xf32, #tpu.memory_space<hbm>> -> memref<8x128xf32, #tpu.memory_space<hbm>>
    %dma_wait3A_768 = arith.constant 0 : i32
    %dma_wait3A_769 = arith.constant 0 : i32
    %dma_wait3A_770 = tpu.memref_slice %arg6[%dma_wait3A_762, %dma_wait3A_768, %dma_wait3A_769] : memref<32x8x128xf32, #tpu.memory_space<vmem>> -> memref<1x8x128xf32, #tpu.memory_space<vmem>>
    %dma_wait3A_771 = tpu.memref_squeeze %dma_wait3A_770 : memref<1x8x128xf32, #tpu.memory_space<vmem>> -> memref<8x128xf32, #tpu.memory_space<vmem>>
    %dma_wait3A_772 = tpu.memref_slice %arg2[%multiple_of3A_172, %multiple_of3A_177] : memref<100000x1024xf32, #tpu.memory_space<hbm>> -> memref<8x128xf32, #tpu.memory_space<hbm>>
    tpu.wait_dma2 semaphore(%arg7 : memref<!tpu.dma_semaphore, #tpu.memory_space<semaphore_mem>>) src(%dma_wait3A_772 : memref<8x128xf32, #tpu.memory_space<hbm>>) dst(%dma_wait3A_771 : memref<8x128xf32, #tpu.memory_space<vmem>>)
    %dma_wait3A_773 = arith.constant 9 : i32
    %dma_wait3A_774 = arith.constant 0 : i32
    %dma_wait3A_775 = arith.constant 0 : i32
    %dma_wait3A_776 = tpu.memref_slice %arg6[%dma_wait3A_773, %dma_wait3A_774, %dma_wait3A_775] : memref<32x8x128xf32, #tpu.memory_space<vmem>> -> memref<1x8x128xf32, #tpu.memory_space<vmem>>
    %dma_wait3A_777 = tpu.memref_squeeze %dma_wait3A_776 : memref<1x8x128xf32, #tpu.memory_space<vmem>> -> memref<8x128xf32, #tpu.memory_space<vmem>>
    %dma_wait3A_778 = tpu.memref_slice %arg2[%multiple_of3A_193, %multiple_of3A_198] : memref<100000x1024xf32, #tpu.memory_space<hbm>> -> memref<8x128xf32, #tpu.memory_space<hbm>>
    %dma_wait3A_779 = arith.constant 0 : i32
    %dma_wait3A_780 = arith.constant 0 : i32
    %dma_wait3A_781 = tpu.memref_slice %arg6[%dma_wait3A_773, %dma_wait3A_779, %dma_wait3A_780] : memref<32x8x128xf32, #tpu.memory_space<vmem>> -> memref<1x8x128xf32, #tpu.memory_space<vmem>>
    %dma_wait3A_782 = tpu.memref_squeeze %dma_wait3A_781 : memref<1x8x128xf32, #tpu.memory_space<vmem>> -> memref<8x128xf32, #tpu.memory_space<vmem>>
    %dma_wait3A_783 = tpu.memref_slice %arg2[%multiple_of3A_193, %multiple_of3A_198] : memref<100000x1024xf32, #tpu.memory_space<hbm>> -> memref<8x128xf32, #tpu.memory_space<hbm>>
    tpu.wait_dma2 semaphore(%arg7 : memref<!tpu.dma_semaphore, #tpu.memory_space<semaphore_mem>>) src(%dma_wait3A_783 : memref<8x128xf32, #tpu.memory_space<hbm>>) dst(%dma_wait3A_782 : memref<8x128xf32, #tpu.memory_space<vmem>>)
    %dma_wait3A_784 = arith.constant 10 : i32
    %dma_wait3A_785 = arith.constant 0 : i32
    %dma_wait3A_786 = arith.constant 0 : i32
    %dma_wait3A_787 = tpu.memref_slice %arg6[%dma_wait3A_784, %dma_wait3A_785, %dma_wait3A_786] : memref<32x8x128xf32, #tpu.memory_space<vmem>> -> memref<1x8x128xf32, #tpu.memory_space<vmem>>
    %dma_wait3A_788 = tpu.memref_squeeze %dma_wait3A_787 : memref<1x8x128xf32, #tpu.memory_space<vmem>> -> memref<8x128xf32, #tpu.memory_space<vmem>>
    %dma_wait3A_789 = tpu.memref_slice %arg2[%multiple_of3A_214, %multiple_of3A_219] : memref<100000x1024xf32, #tpu.memory_space<hbm>> -> memref<8x128xf32, #tpu.memory_space<hbm>>
    %dma_wait3A_790 = arith.constant 0 : i32
    %dma_wait3A_791 = arith.constant 0 : i32
    %dma_wait3A_792 = tpu.memref_slice %arg6[%dma_wait3A_784, %dma_wait3A_790, %dma_wait3A_791] : memref<32x8x128xf32, #tpu.memory_space<vmem>> -> memref<1x8x128xf32, #tpu.memory_space<vmem>>
    %dma_wait3A_793 = tpu.memref_squeeze %dma_wait3A_792 : memref<1x8x128xf32, #tpu.memory_space<vmem>> -> memref<8x128xf32, #tpu.memory_space<vmem>>
    %dma_wait3A_794 = tpu.memref_slice %arg2[%multiple_of3A_214, %multiple_of3A_219] : memref<100000x1024xf32, #tpu.memory_space<hbm>> -> memref<8x128xf32, #tpu.memory_space<hbm>>
    tpu.wait_dma2 semaphore(%arg7 : memref<!tpu.dma_semaphore, #tpu.memory_space<semaphore_mem>>) src(%dma_wait3A_794 : memref<8x128xf32, #tpu.memory_space<hbm>>) dst(%dma_wait3A_793 : memref<8x128xf32, #tpu.memory_space<vmem>>)
    %dma_wait3A_795 = arith.constant 11 : i32
    %dma_wait3A_796 = arith.constant 0 : i32
    %dma_wait3A_797 = arith.constant 0 : i32
    %dma_wait3A_798 = tpu.memref_slice %arg6[%dma_wait3A_795, %dma_wait3A_796, %dma_wait3A_797] : memref<32x8x128xf32, #tpu.memory_space<vmem>> -> memref<1x8x128xf32, #tpu.memory_space<vmem>>
    %dma_wait3A_799 = tpu.memref_squeeze %dma_wait3A_798 : memref<1x8x128xf32, #tpu.memory_space<vmem>> -> memref<8x128xf32, #tpu.memory_space<vmem>>
    %dma_wait3A_800 = tpu.memref_slice %arg2[%multiple_of3A_235, %multiple_of3A_240] : memref<100000x1024xf32, #tpu.memory_space<hbm>> -> memref<8x128xf32, #tpu.memory_space<hbm>>
    %dma_wait3A_801 = arith.constant 0 : i32
    %dma_wait3A_802 = arith.constant 0 : i32
    %dma_wait3A_803 = tpu.memref_slice %arg6[%dma_wait3A_795, %dma_wait3A_801, %dma_wait3A_802] : memref<32x8x128xf32, #tpu.memory_space<vmem>> -> memref<1x8x128xf32, #tpu.memory_space<vmem>>
    %dma_wait3A_804 = tpu.memref_squeeze %dma_wait3A_803 : memref<1x8x128xf32, #tpu.memory_space<vmem>> -> memref<8x128xf32, #tpu.memory_space<vmem>>
    %dma_wait3A_805 = tpu.memref_slice %arg2[%multiple_of3A_235, %multiple_of3A_240] : memref<100000x1024xf32, #tpu.memory_space<hbm>> -> memref<8x128xf32, #tpu.memory_space<hbm>>
    tpu.wait_dma2 semaphore(%arg7 : memref<!tpu.dma_semaphore, #tpu.memory_space<semaphore_mem>>) src(%dma_wait3A_805 : memref<8x128xf32, #tpu.memory_space<hbm>>) dst(%dma_wait3A_804 : memref<8x128xf32, #tpu.memory_space<vmem>>)
    %dma_wait3A_806 = arith.constant 12 : i32
    %dma_wait3A_807 = arith.constant 0 : i32
    %dma_wait3A_808 = arith.constant 0 : i32
    %dma_wait3A_809 = tpu.memref_slice %arg6[%dma_wait3A_806, %dma_wait3A_807, %dma_wait3A_808] : memref<32x8x128xf32, #tpu.memory_space<vmem>> -> memref<1x8x128xf32, #tpu.memory_space<vmem>>
    %dma_wait3A_810 = tpu.memref_squeeze %dma_wait3A_809 : memref<1x8x128xf32, #tpu.memory_space<vmem>> -> memref<8x128xf32, #tpu.memory_space<vmem>>
    %dma_wait3A_811 = tpu.memref_slice %arg2[%multiple_of3A_256, %multiple_of3A_261] : memref<100000x1024xf32, #tpu.memory_space<hbm>> -> memref<8x128xf32, #tpu.memory_space<hbm>>
    %dma_wait3A_812 = arith.constant 0 : i32
    %dma_wait3A_813 = arith.constant 0 : i32
    %dma_wait3A_814 = tpu.memref_slice %arg6[%dma_wait3A_806, %dma_wait3A_812, %dma_wait3A_813] : memref<32x8x128xf32, #tpu.memory_space<vmem>> -> memref<1x8x128xf32, #tpu.memory_space<vmem>>
    %dma_wait3A_815 = tpu.memref_squeeze %dma_wait3A_814 : memref<1x8x128xf32, #tpu.memory_space<vmem>> -> memref<8x128xf32, #tpu.memory_space<vmem>>
    %dma_wait3A_816 = tpu.memref_slice %arg2[%multiple_of3A_256, %multiple_of3A_261] : memref<100000x1024xf32, #tpu.memory_space<hbm>> -> memref<8x128xf32, #tpu.memory_space<hbm>>
    tpu.wait_dma2 semaphore(%arg7 : memref<!tpu.dma_semaphore, #tpu.memory_space<semaphore_mem>>) src(%dma_wait3A_816 : memref<8x128xf32, #tpu.memory_space<hbm>>) dst(%dma_wait3A_815 : memref<8x128xf32, #tpu.memory_space<vmem>>)
    %dma_wait3A_817 = arith.constant 13 : i32
    %dma_wait3A_818 = arith.constant 0 : i32
    %dma_wait3A_819 = arith.constant 0 : i32
    %dma_wait3A_820 = tpu.memref_slice %arg6[%dma_wait3A_817, %dma_wait3A_818, %dma_wait3A_819] : memref<32x8x128xf32, #tpu.memory_space<vmem>> -> memref<1x8x128xf32, #tpu.memory_space<vmem>>
    %dma_wait3A_821 = tpu.memref_squeeze %dma_wait3A_820 : memref<1x8x128xf32, #tpu.memory_space<vmem>> -> memref<8x128xf32, #tpu.memory_space<vmem>>
    %dma_wait3A_822 = tpu.memref_slice %arg2[%multiple_of3A_277, %multiple_of3A_282] : memref<100000x1024xf32, #tpu.memory_space<hbm>> -> memref<8x128xf32, #tpu.memory_space<hbm>>
    %dma_wait3A_823 = arith.constant 0 : i32
    %dma_wait3A_824 = arith.constant 0 : i32
    %dma_wait3A_825 = tpu.memref_slice %arg6[%dma_wait3A_817, %dma_wait3A_823, %dma_wait3A_824] : memref<32x8x128xf32, #tpu.memory_space<vmem>> -> memref<1x8x128xf32, #tpu.memory_space<vmem>>
    %dma_wait3A_826 = tpu.memref_squeeze %dma_wait3A_825 : memref<1x8x128xf32, #tpu.memory_space<vmem>> -> memref<8x128xf32, #tpu.memory_space<vmem>>
    %dma_wait3A_827 = tpu.memref_slice %arg2[%multiple_of3A_277, %multiple_of3A_282] : memref<100000x1024xf32, #tpu.memory_space<hbm>> -> memref<8x128xf32, #tpu.memory_space<hbm>>
    tpu.wait_dma2 semaphore(%arg7 : memref<!tpu.dma_semaphore, #tpu.memory_space<semaphore_mem>>) src(%dma_wait3A_827 : memref<8x128xf32, #tpu.memory_space<hbm>>) dst(%dma_wait3A_826 : memref<8x128xf32, #tpu.memory_space<vmem>>)
    %dma_wait3A_828 = arith.constant 14 : i32
    %dma_wait3A_829 = arith.constant 0 : i32
    %dma_wait3A_830 = arith.constant 0 : i32
    %dma_wait3A_831 = tpu.memref_slice %arg6[%dma_wait3A_828, %dma_wait3A_829, %dma_wait3A_830] : memref<32x8x128xf32, #tpu.memory_space<vmem>> -> memref<1x8x128xf32, #tpu.memory_space<vmem>>
    %dma_wait3A_832 = tpu.memref_squeeze %dma_wait3A_831 : memref<1x8x128xf32, #tpu.memory_space<vmem>> -> memref<8x128xf32, #tpu.memory_space<vmem>>
    %dma_wait3A_833 = tpu.memref_slice %arg2[%multiple_of3A_298, %multiple_of3A_303] : memref<100000x1024xf32, #tpu.memory_space<hbm>> -> memref<8x128xf32, #tpu.memory_space<hbm>>
    %dma_wait3A_834 = arith.constant 0 : i32
    %dma_wait3A_835 = arith.constant 0 : i32
    %dma_wait3A_836 = tpu.memref_slice %arg6[%dma_wait3A_828, %dma_wait3A_834, %dma_wait3A_835] : memref<32x8x128xf32, #tpu.memory_space<vmem>> -> memref<1x8x128xf32, #tpu.memory_space<vmem>>
    %dma_wait3A_837 = tpu.memref_squeeze %dma_wait3A_836 : memref<1x8x128xf32, #tpu.memory_space<vmem>> -> memref<8x128xf32, #tpu.memory_space<vmem>>
    %dma_wait3A_838 = tpu.memref_slice %arg2[%multiple_of3A_298, %multiple_of3A_303] : memref<100000x1024xf32, #tpu.memory_space<hbm>> -> memref<8x128xf32, #tpu.memory_space<hbm>>
    tpu.wait_dma2 semaphore(%arg7 : memref<!tpu.dma_semaphore, #tpu.memory_space<semaphore_mem>>) src(%dma_wait3A_838 : memref<8x128xf32, #tpu.memory_space<hbm>>) dst(%dma_wait3A_837 : memref<8x128xf32, #tpu.memory_space<vmem>>)
    %dma_wait3A_839 = arith.constant 15 : i32
    %dma_wait3A_840 = arith.constant 0 : i32
    %dma_wait3A_841 = arith.constant 0 : i32
    %dma_wait3A_842 = tpu.memref_slice %arg6[%dma_wait3A_839, %dma_wait3A_840, %dma_wait3A_841] : memref<32x8x128xf32, #tpu.memory_space<vmem>> -> memref<1x8x128xf32, #tpu.memory_space<vmem>>
    %dma_wait3A_843 = tpu.memref_squeeze %dma_wait3A_842 : memref<1x8x128xf32, #tpu.memory_space<vmem>> -> memref<8x128xf32, #tpu.memory_space<vmem>>
    %dma_wait3A_844 = tpu.memref_slice %arg2[%multiple_of3A_319, %multiple_of3A_324] : memref<100000x1024xf32, #tpu.memory_space<hbm>> -> memref<8x128xf32, #tpu.memory_space<hbm>>
    %dma_wait3A_845 = arith.constant 0 : i32
    %dma_wait3A_846 = arith.constant 0 : i32
    %dma_wait3A_847 = tpu.memref_slice %arg6[%dma_wait3A_839, %dma_wait3A_845, %dma_wait3A_846] : memref<32x8x128xf32, #tpu.memory_space<vmem>> -> memref<1x8x128xf32, #tpu.memory_space<vmem>>
    %dma_wait3A_848 = tpu.memref_squeeze %dma_wait3A_847 : memref<1x8x128xf32, #tpu.memory_space<vmem>> -> memref<8x128xf32, #tpu.memory_space<vmem>>
    %dma_wait3A_849 = tpu.memref_slice %arg2[%multiple_of3A_319, %multiple_of3A_324] : memref<100000x1024xf32, #tpu.memory_space<hbm>> -> memref<8x128xf32, #tpu.memory_space<hbm>>
    tpu.wait_dma2 semaphore(%arg7 : memref<!tpu.dma_semaphore, #tpu.memory_space<semaphore_mem>>) src(%dma_wait3A_849 : memref<8x128xf32, #tpu.memory_space<hbm>>) dst(%dma_wait3A_848 : memref<8x128xf32, #tpu.memory_space<vmem>>)
    %dma_wait3A_850 = arith.constant 16 : i32
    %dma_wait3A_851 = arith.constant 0 : i32
    %dma_wait3A_852 = arith.constant 0 : i32
    %dma_wait3A_853 = tpu.memref_slice %arg6[%dma_wait3A_850, %dma_wait3A_851, %dma_wait3A_852] : memref<32x8x128xf32, #tpu.memory_space<vmem>> -> memref<1x8x128xf32, #tpu.memory_space<vmem>>
    %dma_wait3A_854 = tpu.memref_squeeze %dma_wait3A_853 : memref<1x8x128xf32, #tpu.memory_space<vmem>> -> memref<8x128xf32, #tpu.memory_space<vmem>>
    %dma_wait3A_855 = tpu.memref_slice %arg2[%multiple_of3A_343, %multiple_of3A_348] : memref<100000x1024xf32, #tpu.memory_space<hbm>> -> memref<8x128xf32, #tpu.memory_space<hbm>>
    %dma_wait3A_856 = arith.constant 0 : i32
    %dma_wait3A_857 = arith.constant 0 : i32
    %dma_wait3A_858 = tpu.memref_slice %arg6[%dma_wait3A_850, %dma_wait3A_856, %dma_wait3A_857] : memref<32x8x128xf32, #tpu.memory_space<vmem>> -> memref<1x8x128xf32, #tpu.memory_space<vmem>>
    %dma_wait3A_859 = tpu.memref_squeeze %dma_wait3A_858 : memref<1x8x128xf32, #tpu.memory_space<vmem>> -> memref<8x128xf32, #tpu.memory_space<vmem>>
    %dma_wait3A_860 = tpu.memref_slice %arg2[%multiple_of3A_343, %multiple_of3A_348] : memref<100000x1024xf32, #tpu.memory_space<hbm>> -> memref<8x128xf32, #tpu.memory_space<hbm>>
    tpu.wait_dma2 semaphore(%arg7 : memref<!tpu.dma_semaphore, #tpu.memory_space<semaphore_mem>>) src(%dma_wait3A_860 : memref<8x128xf32, #tpu.memory_space<hbm>>) dst(%dma_wait3A_859 : memref<8x128xf32, #tpu.memory_space<vmem>>)
    %dma_wait3A_861 = arith.constant 17 : i32
    %dma_wait3A_862 = arith.constant 0 : i32
    %dma_wait3A_863 = arith.constant 0 : i32
    %dma_wait3A_864 = tpu.memref_slice %arg6[%dma_wait3A_861, %dma_wait3A_862, %dma_wait3A_863] : memref<32x8x128xf32, #tpu.memory_space<vmem>> -> memref<1x8x128xf32, #tpu.memory_space<vmem>>
    %dma_wait3A_865 = tpu.memref_squeeze %dma_wait3A_864 : memref<1x8x128xf32, #tpu.memory_space<vmem>> -> memref<8x128xf32, #tpu.memory_space<vmem>>
    %dma_wait3A_866 = tpu.memref_slice %arg2[%multiple_of3A_364, %multiple_of3A_369] : memref<100000x1024xf32, #tpu.memory_space<hbm>> -> memref<8x128xf32, #tpu.memory_space<hbm>>
    %dma_wait3A_867 = arith.constant 0 : i32
    %dma_wait3A_868 = arith.constant 0 : i32
    %dma_wait3A_869 = tpu.memref_slice %arg6[%dma_wait3A_861, %dma_wait3A_867, %dma_wait3A_868] : memref<32x8x128xf32, #tpu.memory_space<vmem>> -> memref<1x8x128xf32, #tpu.memory_space<vmem>>
    %dma_wait3A_870 = tpu.memref_squeeze %dma_wait3A_869 : memref<1x8x128xf32, #tpu.memory_space<vmem>> -> memref<8x128xf32, #tpu.memory_space<vmem>>
    %dma_wait3A_871 = tpu.memref_slice %arg2[%multiple_of3A_364, %multiple_of3A_369] : memref<100000x1024xf32, #tpu.memory_space<hbm>> -> memref<8x128xf32, #tpu.memory_space<hbm>>
    tpu.wait_dma2 semaphore(%arg7 : memref<!tpu.dma_semaphore, #tpu.memory_space<semaphore_mem>>) src(%dma_wait3A_871 : memref<8x128xf32, #tpu.memory_space<hbm>>) dst(%dma_wait3A_870 : memref<8x128xf32, #tpu.memory_space<vmem>>)
    %dma_wait3A_872 = arith.constant 18 : i32
    %dma_wait3A_873 = arith.constant 0 : i32
    %dma_wait3A_874 = arith.constant 0 : i32
    %dma_wait3A_875 = tpu.memref_slice %arg6[%dma_wait3A_872, %dma_wait3A_873, %dma_wait3A_874] : memref<32x8x128xf32, #tpu.memory_space<vmem>> -> memref<1x8x128xf32, #tpu.memory_space<vmem>>
    %dma_wait3A_876 = tpu.memref_squeeze %dma_wait3A_875 : memref<1x8x128xf32, #tpu.memory_space<vmem>> -> memref<8x128xf32, #tpu.memory_space<vmem>>
    %dma_wait3A_877 = tpu.memref_slice %arg2[%multiple_of3A_385, %multiple_of3A_390] : memref<100000x1024xf32, #tpu.memory_space<hbm>> -> memref<8x128xf32, #tpu.memory_space<hbm>>
    %dma_wait3A_878 = arith.constant 0 : i32
    %dma_wait3A_879 = arith.constant 0 : i32
    %dma_wait3A_880 = tpu.memref_slice %arg6[%dma_wait3A_872, %dma_wait3A_878, %dma_wait3A_879] : memref<32x8x128xf32, #tpu.memory_space<vmem>> -> memref<1x8x128xf32, #tpu.memory_space<vmem>>
    %dma_wait3A_881 = tpu.memref_squeeze %dma_wait3A_880 : memref<1x8x128xf32, #tpu.memory_space<vmem>> -> memref<8x128xf32, #tpu.memory_space<vmem>>
    %dma_wait3A_882 = tpu.memref_slice %arg2[%multiple_of3A_385, %multiple_of3A_390] : memref<100000x1024xf32, #tpu.memory_space<hbm>> -> memref<8x128xf32, #tpu.memory_space<hbm>>
    tpu.wait_dma2 semaphore(%arg7 : memref<!tpu.dma_semaphore, #tpu.memory_space<semaphore_mem>>) src(%dma_wait3A_882 : memref<8x128xf32, #tpu.memory_space<hbm>>) dst(%dma_wait3A_881 : memref<8x128xf32, #tpu.memory_space<vmem>>)
    %dma_wait3A_883 = arith.constant 19 : i32
    %dma_wait3A_884 = arith.constant 0 : i32
    %dma_wait3A_885 = arith.constant 0 : i32
    %dma_wait3A_886 = tpu.memref_slice %arg6[%dma_wait3A_883, %dma_wait3A_884, %dma_wait3A_885] : memref<32x8x128xf32, #tpu.memory_space<vmem>> -> memref<1x8x128xf32, #tpu.memory_space<vmem>>
    %dma_wait3A_887 = tpu.memref_squeeze %dma_wait3A_886 : memref<1x8x128xf32, #tpu.memory_space<vmem>> -> memref<8x128xf32, #tpu.memory_space<vmem>>
    %dma_wait3A_888 = tpu.memref_slice %arg2[%multiple_of3A_406, %multiple_of3A_411] : memref<100000x1024xf32, #tpu.memory_space<hbm>> -> memref<8x128xf32, #tpu.memory_space<hbm>>
    %dma_wait3A_889 = arith.constant 0 : i32
    %dma_wait3A_890 = arith.constant 0 : i32
    %dma_wait3A_891 = tpu.memref_slice %arg6[%dma_wait3A_883, %dma_wait3A_889, %dma_wait3A_890] : memref<32x8x128xf32, #tpu.memory_space<vmem>> -> memref<1x8x128xf32, #tpu.memory_space<vmem>>
    %dma_wait3A_892 = tpu.memref_squeeze %dma_wait3A_891 : memref<1x8x128xf32, #tpu.memory_space<vmem>> -> memref<8x128xf32, #tpu.memory_space<vmem>>
    %dma_wait3A_893 = tpu.memref_slice %arg2[%multiple_of3A_406, %multiple_of3A_411] : memref<100000x1024xf32, #tpu.memory_space<hbm>> -> memref<8x128xf32, #tpu.memory_space<hbm>>
    tpu.wait_dma2 semaphore(%arg7 : memref<!tpu.dma_semaphore, #tpu.memory_space<semaphore_mem>>) src(%dma_wait3A_893 : memref<8x128xf32, #tpu.memory_space<hbm>>) dst(%dma_wait3A_892 : memref<8x128xf32, #tpu.memory_space<vmem>>)
    %dma_wait3A_894 = arith.constant 20 : i32
    %dma_wait3A_895 = arith.constant 0 : i32
    %dma_wait3A_896 = arith.constant 0 : i32
    %dma_wait3A_897 = tpu.memref_slice %arg6[%dma_wait3A_894, %dma_wait3A_895, %dma_wait3A_896] : memref<32x8x128xf32, #tpu.memory_space<vmem>> -> memref<1x8x128xf32, #tpu.memory_space<vmem>>
    %dma_wait3A_898 = tpu.memref_squeeze %dma_wait3A_897 : memref<1x8x128xf32, #tpu.memory_space<vmem>> -> memref<8x128xf32, #tpu.memory_space<vmem>>
    %dma_wait3A_899 = tpu.memref_slice %arg2[%multiple_of3A_427, %multiple_of3A_432] : memref<100000x1024xf32, #tpu.memory_space<hbm>> -> memref<8x128xf32, #tpu.memory_space<hbm>>
    %dma_wait3A_900 = arith.constant 0 : i32
    %dma_wait3A_901 = arith.constant 0 : i32
    %dma_wait3A_902 = tpu.memref_slice %arg6[%dma_wait3A_894, %dma_wait3A_900, %dma_wait3A_901] : memref<32x8x128xf32, #tpu.memory_space<vmem>> -> memref<1x8x128xf32, #tpu.memory_space<vmem>>
    %dma_wait3A_903 = tpu.memref_squeeze %dma_wait3A_902 : memref<1x8x128xf32, #tpu.memory_space<vmem>> -> memref<8x128xf32, #tpu.memory_space<vmem>>
    %dma_wait3A_904 = tpu.memref_slice %arg2[%multiple_of3A_427, %multiple_of3A_432] : memref<100000x1024xf32, #tpu.memory_space<hbm>> -> memref<8x128xf32, #tpu.memory_space<hbm>>
    tpu.wait_dma2 semaphore(%arg7 : memref<!tpu.dma_semaphore, #tpu.memory_space<semaphore_mem>>) src(%dma_wait3A_904 : memref<8x128xf32, #tpu.memory_space<hbm>>) dst(%dma_wait3A_903 : memref<8x128xf32, #tpu.memory_space<vmem>>)
    %dma_wait3A_905 = arith.constant 21 : i32
    %dma_wait3A_906 = arith.constant 0 : i32
    %dma_wait3A_907 = arith.constant 0 : i32
    %dma_wait3A_908 = tpu.memref_slice %arg6[%dma_wait3A_905, %dma_wait3A_906, %dma_wait3A_907] : memref<32x8x128xf32, #tpu.memory_space<vmem>> -> memref<1x8x128xf32, #tpu.memory_space<vmem>>
    %dma_wait3A_909 = tpu.memref_squeeze %dma_wait3A_908 : memref<1x8x128xf32, #tpu.memory_space<vmem>> -> memref<8x128xf32, #tpu.memory_space<vmem>>
    %dma_wait3A_910 = tpu.memref_slice %arg2[%multiple_of3A_448, %multiple_of3A_453] : memref<100000x1024xf32, #tpu.memory_space<hbm>> -> memref<8x128xf32, #tpu.memory_space<hbm>>
    %dma_wait3A_911 = arith.constant 0 : i32
    %dma_wait3A_912 = arith.constant 0 : i32
    %dma_wait3A_913 = tpu.memref_slice %arg6[%dma_wait3A_905, %dma_wait3A_911, %dma_wait3A_912] : memref<32x8x128xf32, #tpu.memory_space<vmem>> -> memref<1x8x128xf32, #tpu.memory_space<vmem>>
    %dma_wait3A_914 = tpu.memref_squeeze %dma_wait3A_913 : memref<1x8x128xf32, #tpu.memory_space<vmem>> -> memref<8x128xf32, #tpu.memory_space<vmem>>
    %dma_wait3A_915 = tpu.memref_slice %arg2[%multiple_of3A_448, %multiple_of3A_453] : memref<100000x1024xf32, #tpu.memory_space<hbm>> -> memref<8x128xf32, #tpu.memory_space<hbm>>
    tpu.wait_dma2 semaphore(%arg7 : memref<!tpu.dma_semaphore, #tpu.memory_space<semaphore_mem>>) src(%dma_wait3A_915 : memref<8x128xf32, #tpu.memory_space<hbm>>) dst(%dma_wait3A_914 : memref<8x128xf32, #tpu.memory_space<vmem>>)
    %dma_wait3A_916 = arith.constant 22 : i32
    %dma_wait3A_917 = arith.constant 0 : i32
    %dma_wait3A_918 = arith.constant 0 : i32
    %dma_wait3A_919 = tpu.memref_slice %arg6[%dma_wait3A_916, %dma_wait3A_917, %dma_wait3A_918] : memref<32x8x128xf32, #tpu.memory_space<vmem>> -> memref<1x8x128xf32, #tpu.memory_space<vmem>>
    %dma_wait3A_920 = tpu.memref_squeeze %dma_wait3A_919 : memref<1x8x128xf32, #tpu.memory_space<vmem>> -> memref<8x128xf32, #tpu.memory_space<vmem>>
    %dma_wait3A_921 = tpu.memref_slice %arg2[%multiple_of3A_469, %multiple_of3A_474] : memref<100000x1024xf32, #tpu.memory_space<hbm>> -> memref<8x128xf32, #tpu.memory_space<hbm>>
    %dma_wait3A_922 = arith.constant 0 : i32
    %dma_wait3A_923 = arith.constant 0 : i32
    %dma_wait3A_924 = tpu.memref_slice %arg6[%dma_wait3A_916, %dma_wait3A_922, %dma_wait3A_923] : memref<32x8x128xf32, #tpu.memory_space<vmem>> -> memref<1x8x128xf32, #tpu.memory_space<vmem>>
    %dma_wait3A_925 = tpu.memref_squeeze %dma_wait3A_924 : memref<1x8x128xf32, #tpu.memory_space<vmem>> -> memref<8x128xf32, #tpu.memory_space<vmem>>
    %dma_wait3A_926 = tpu.memref_slice %arg2[%multiple_of3A_469, %multiple_of3A_474] : memref<100000x1024xf32, #tpu.memory_space<hbm>> -> memref<8x128xf32, #tpu.memory_space<hbm>>
    tpu.wait_dma2 semaphore(%arg7 : memref<!tpu.dma_semaphore, #tpu.memory_space<semaphore_mem>>) src(%dma_wait3A_926 : memref<8x128xf32, #tpu.memory_space<hbm>>) dst(%dma_wait3A_925 : memref<8x128xf32, #tpu.memory_space<vmem>>)
    %dma_wait3A_927 = arith.constant 23 : i32
    %dma_wait3A_928 = arith.constant 0 : i32
    %dma_wait3A_929 = arith.constant 0 : i32
    %dma_wait3A_930 = tpu.memref_slice %arg6[%dma_wait3A_927, %dma_wait3A_928, %dma_wait3A_929] : memref<32x8x128xf32, #tpu.memory_space<vmem>> -> memref<1x8x128xf32, #tpu.memory_space<vmem>>
    %dma_wait3A_931 = tpu.memref_squeeze %dma_wait3A_930 : memref<1x8x128xf32, #tpu.memory_space<vmem>> -> memref<8x128xf32, #tpu.memory_space<vmem>>
    %dma_wait3A_932 = tpu.memref_slice %arg2[%multiple_of3A_490, %multiple_of3A_495] : memref<100000x1024xf32, #tpu.memory_space<hbm>> -> memref<8x128xf32, #tpu.memory_space<hbm>>
    %dma_wait3A_933 = arith.constant 0 : i32
    %dma_wait3A_934 = arith.constant 0 : i32
    %dma_wait3A_935 = tpu.memref_slice %arg6[%dma_wait3A_927, %dma_wait3A_933, %dma_wait3A_934] : memref<32x8x128xf32, #tpu.memory_space<vmem>> -> memref<1x8x128xf32, #tpu.memory_space<vmem>>
    %dma_wait3A_936 = tpu.memref_squeeze %dma_wait3A_935 : memref<1x8x128xf32, #tpu.memory_space<vmem>> -> memref<8x128xf32, #tpu.memory_space<vmem>>
    %dma_wait3A_937 = tpu.memref_slice %arg2[%multiple_of3A_490, %multiple_of3A_495] : memref<100000x1024xf32, #tpu.memory_space<hbm>> -> memref<8x128xf32, #tpu.memory_space<hbm>>
    tpu.wait_dma2 semaphore(%arg7 : memref<!tpu.dma_semaphore, #tpu.memory_space<semaphore_mem>>) src(%dma_wait3A_937 : memref<8x128xf32, #tpu.memory_space<hbm>>) dst(%dma_wait3A_936 : memref<8x128xf32, #tpu.memory_space<vmem>>)
    %dma_wait3A_938 = arith.constant 24 : i32
    %dma_wait3A_939 = arith.constant 0 : i32
    %dma_wait3A_940 = arith.constant 0 : i32
    %dma_wait3A_941 = tpu.memref_slice %arg6[%dma_wait3A_938, %dma_wait3A_939, %dma_wait3A_940] : memref<32x8x128xf32, #tpu.memory_space<vmem>> -> memref<1x8x128xf32, #tpu.memory_space<vmem>>
    %dma_wait3A_942 = tpu.memref_squeeze %dma_wait3A_941 : memref<1x8x128xf32, #tpu.memory_space<vmem>> -> memref<8x128xf32, #tpu.memory_space<vmem>>
    %dma_wait3A_943 = tpu.memref_slice %arg2[%multiple_of3A_511, %multiple_of3A_516] : memref<100000x1024xf32, #tpu.memory_space<hbm>> -> memref<8x128xf32, #tpu.memory_space<hbm>>
    %dma_wait3A_944 = arith.constant 0 : i32
    %dma_wait3A_945 = arith.constant 0 : i32
    %dma_wait3A_946 = tpu.memref_slice %arg6[%dma_wait3A_938, %dma_wait3A_944, %dma_wait3A_945] : memref<32x8x128xf32, #tpu.memory_space<vmem>> -> memref<1x8x128xf32, #tpu.memory_space<vmem>>
    %dma_wait3A_947 = tpu.memref_squeeze %dma_wait3A_946 : memref<1x8x128xf32, #tpu.memory_space<vmem>> -> memref<8x128xf32, #tpu.memory_space<vmem>>
    %dma_wait3A_948 = tpu.memref_slice %arg2[%multiple_of3A_511, %multiple_of3A_516] : memref<100000x1024xf32, #tpu.memory_space<hbm>> -> memref<8x128xf32, #tpu.memory_space<hbm>>
    tpu.wait_dma2 semaphore(%arg7 : memref<!tpu.dma_semaphore, #tpu.memory_space<semaphore_mem>>) src(%dma_wait3A_948 : memref<8x128xf32, #tpu.memory_space<hbm>>) dst(%dma_wait3A_947 : memref<8x128xf32, #tpu.memory_space<vmem>>)
    %dma_wait3A_949 = arith.constant 25 : i32
    %dma_wait3A_950 = arith.constant 0 : i32
    %dma_wait3A_951 = arith.constant 0 : i32
    %dma_wait3A_952 = tpu.memref_slice %arg6[%dma_wait3A_949, %dma_wait3A_950, %dma_wait3A_951] : memref<32x8x128xf32, #tpu.memory_space<vmem>> -> memref<1x8x128xf32, #tpu.memory_space<vmem>>
    %dma_wait3A_953 = tpu.memref_squeeze %dma_wait3A_952 : memref<1x8x128xf32, #tpu.memory_space<vmem>> -> memref<8x128xf32, #tpu.memory_space<vmem>>
    %dma_wait3A_954 = tpu.memref_slice %arg2[%multiple_of3A_532, %multiple_of3A_537] : memref<100000x1024xf32, #tpu.memory_space<hbm>> -> memref<8x128xf32, #tpu.memory_space<hbm>>
    %dma_wait3A_955 = arith.constant 0 : i32
    %dma_wait3A_956 = arith.constant 0 : i32
    %dma_wait3A_957 = tpu.memref_slice %arg6[%dma_wait3A_949, %dma_wait3A_955, %dma_wait3A_956] : memref<32x8x128xf32, #tpu.memory_space<vmem>> -> memref<1x8x128xf32, #tpu.memory_space<vmem>>
    %dma_wait3A_958 = tpu.memref_squeeze %dma_wait3A_957 : memref<1x8x128xf32, #tpu.memory_space<vmem>> -> memref<8x128xf32, #tpu.memory_space<vmem>>
    %dma_wait3A_959 = tpu.memref_slice %arg2[%multiple_of3A_532, %multiple_of3A_537] : memref<100000x1024xf32, #tpu.memory_space<hbm>> -> memref<8x128xf32, #tpu.memory_space<hbm>>
    tpu.wait_dma2 semaphore(%arg7 : memref<!tpu.dma_semaphore, #tpu.memory_space<semaphore_mem>>) src(%dma_wait3A_959 : memref<8x128xf32, #tpu.memory_space<hbm>>) dst(%dma_wait3A_958 : memref<8x128xf32, #tpu.memory_space<vmem>>)
    %dma_wait3A_960 = arith.constant 26 : i32
    %dma_wait3A_961 = arith.constant 0 : i32
    %dma_wait3A_962 = arith.constant 0 : i32
    %dma_wait3A_963 = tpu.memref_slice %arg6[%dma_wait3A_960, %dma_wait3A_961, %dma_wait3A_962] : memref<32x8x128xf32, #tpu.memory_space<vmem>> -> memref<1x8x128xf32, #tpu.memory_space<vmem>>
    %dma_wait3A_964 = tpu.memref_squeeze %dma_wait3A_963 : memref<1x8x128xf32, #tpu.memory_space<vmem>> -> memref<8x128xf32, #tpu.memory_space<vmem>>
    %dma_wait3A_965 = tpu.memref_slice %arg2[%multiple_of3A_553, %multiple_of3A_558] : memref<100000x1024xf32, #tpu.memory_space<hbm>> -> memref<8x128xf32, #tpu.memory_space<hbm>>
    %dma_wait3A_966 = arith.constant 0 : i32
    %dma_wait3A_967 = arith.constant 0 : i32
    %dma_wait3A_968 = tpu.memref_slice %arg6[%dma_wait3A_960, %dma_wait3A_966, %dma_wait3A_967] : memref<32x8x128xf32, #tpu.memory_space<vmem>> -> memref<1x8x128xf32, #tpu.memory_space<vmem>>
    %dma_wait3A_969 = tpu.memref_squeeze %dma_wait3A_968 : memref<1x8x128xf32, #tpu.memory_space<vmem>> -> memref<8x128xf32, #tpu.memory_space<vmem>>
    %dma_wait3A_970 = tpu.memref_slice %arg2[%multiple_of3A_553, %multiple_of3A_558] : memref<100000x1024xf32, #tpu.memory_space<hbm>> -> memref<8x128xf32, #tpu.memory_space<hbm>>
    tpu.wait_dma2 semaphore(%arg7 : memref<!tpu.dma_semaphore, #tpu.memory_space<semaphore_mem>>) src(%dma_wait3A_970 : memref<8x128xf32, #tpu.memory_space<hbm>>) dst(%dma_wait3A_969 : memref<8x128xf32, #tpu.memory_space<vmem>>)
    %dma_wait3A_971 = arith.constant 27 : i32
    %dma_wait3A_972 = arith.constant 0 : i32
    %dma_wait3A_973 = arith.constant 0 : i32
    %dma_wait3A_974 = tpu.memref_slice %arg6[%dma_wait3A_971, %dma_wait3A_972, %dma_wait3A_973] : memref<32x8x128xf32, #tpu.memory_space<vmem>> -> memref<1x8x128xf32, #tpu.memory_space<vmem>>
    %dma_wait3A_975 = tpu.memref_squeeze %dma_wait3A_974 : memref<1x8x128xf32, #tpu.memory_space<vmem>> -> memref<8x128xf32, #tpu.memory_space<vmem>>
    %dma_wait3A_976 = tpu.memref_slice %arg2[%multiple_of3A_574, %multiple_of3A_579] : memref<100000x1024xf32, #tpu.memory_space<hbm>> -> memref<8x128xf32, #tpu.memory_space<hbm>>
    %dma_wait3A_977 = arith.constant 0 : i32
    %dma_wait3A_978 = arith.constant 0 : i32
    %dma_wait3A_979 = tpu.memref_slice %arg6[%dma_wait3A_971, %dma_wait3A_977, %dma_wait3A_978] : memref<32x8x128xf32, #tpu.memory_space<vmem>> -> memref<1x8x128xf32, #tpu.memory_space<vmem>>
    %dma_wait3A_980 = tpu.memref_squeeze %dma_wait3A_979 : memref<1x8x128xf32, #tpu.memory_space<vmem>> -> memref<8x128xf32, #tpu.memory_space<vmem>>
    %dma_wait3A_981 = tpu.memref_slice %arg2[%multiple_of3A_574, %multiple_of3A_579] : memref<100000x1024xf32, #tpu.memory_space<hbm>> -> memref<8x128xf32, #tpu.memory_space<hbm>>
    tpu.wait_dma2 semaphore(%arg7 : memref<!tpu.dma_semaphore, #tpu.memory_space<semaphore_mem>>) src(%dma_wait3A_981 : memref<8x128xf32, #tpu.memory_space<hbm>>) dst(%dma_wait3A_980 : memref<8x128xf32, #tpu.memory_space<vmem>>)
    %dma_wait3A_982 = arith.constant 28 : i32
    %dma_wait3A_983 = arith.constant 0 : i32
    %dma_wait3A_984 = arith.constant 0 : i32
    %dma_wait3A_985 = tpu.memref_slice %arg6[%dma_wait3A_982, %dma_wait3A_983, %dma_wait3A_984] : memref<32x8x128xf32, #tpu.memory_space<vmem>> -> memref<1x8x128xf32, #tpu.memory_space<vmem>>
    %dma_wait3A_986 = tpu.memref_squeeze %dma_wait3A_985 : memref<1x8x128xf32, #tpu.memory_space<vmem>> -> memref<8x128xf32, #tpu.memory_space<vmem>>
    %dma_wait3A_987 = tpu.memref_slice %arg2[%multiple_of3A_595, %multiple_of3A_600] : memref<100000x1024xf32, #tpu.memory_space<hbm>> -> memref<8x128xf32, #tpu.memory_space<hbm>>
    %dma_wait3A_988 = arith.constant 0 : i32
    %dma_wait3A_989 = arith.constant 0 : i32
    %dma_wait3A_990 = tpu.memref_slice %arg6[%dma_wait3A_982, %dma_wait3A_988, %dma_wait3A_989] : memref<32x8x128xf32, #tpu.memory_space<vmem>> -> memref<1x8x128xf32, #tpu.memory_space<vmem>>
    %dma_wait3A_991 = tpu.memref_squeeze %dma_wait3A_990 : memref<1x8x128xf32, #tpu.memory_space<vmem>> -> memref<8x128xf32, #tpu.memory_space<vmem>>
    %dma_wait3A_992 = tpu.memref_slice %arg2[%multiple_of3A_595, %multiple_of3A_600] : memref<100000x1024xf32, #tpu.memory_space<hbm>> -> memref<8x128xf32, #tpu.memory_space<hbm>>
    tpu.wait_dma2 semaphore(%arg7 : memref<!tpu.dma_semaphore, #tpu.memory_space<semaphore_mem>>) src(%dma_wait3A_992 : memref<8x128xf32, #tpu.memory_space<hbm>>) dst(%dma_wait3A_991 : memref<8x128xf32, #tpu.memory_space<vmem>>)
    %dma_wait3A_993 = arith.constant 29 : i32
    %dma_wait3A_994 = arith.constant 0 : i32
    %dma_wait3A_995 = arith.constant 0 : i32
    %dma_wait3A_996 = tpu.memref_slice %arg6[%dma_wait3A_993, %dma_wait3A_994, %dma_wait3A_995] : memref<32x8x128xf32, #tpu.memory_space<vmem>> -> memref<1x8x128xf32, #tpu.memory_space<vmem>>
    %dma_wait3A_997 = tpu.memref_squeeze %dma_wait3A_996 : memref<1x8x128xf32, #tpu.memory_space<vmem>> -> memref<8x128xf32, #tpu.memory_space<vmem>>
    %dma_wait3A_998 = tpu.memref_slice %arg2[%multiple_of3A_616, %multiple_of3A_621] : memref<100000x1024xf32, #tpu.memory_space<hbm>> -> memref<8x128xf32, #tpu.memory_space<hbm>>
    %dma_wait3A_999 = arith.constant 0 : i32
    %dma_wait3A_1000 = arith.constant 0 : i32
    %dma_wait3A_1001 = tpu.memref_slice %arg6[%dma_wait3A_993, %dma_wait3A_999, %dma_wait3A_1000] : memref<32x8x128xf32, #tpu.memory_space<vmem>> -> memref<1x8x128xf32, #tpu.memory_space<vmem>>
    %dma_wait3A_1002 = tpu.memref_squeeze %dma_wait3A_1001 : memref<1x8x128xf32, #tpu.memory_space<vmem>> -> memref<8x128xf32, #tpu.memory_space<vmem>>
    %dma_wait3A_1003 = tpu.memref_slice %arg2[%multiple_of3A_616, %multiple_of3A_621] : memref<100000x1024xf32, #tpu.memory_space<hbm>> -> memref<8x128xf32, #tpu.memory_space<hbm>>
    tpu.wait_dma2 semaphore(%arg7 : memref<!tpu.dma_semaphore, #tpu.memory_space<semaphore_mem>>) src(%dma_wait3A_1003 : memref<8x128xf32, #tpu.memory_space<hbm>>) dst(%dma_wait3A_1002 : memref<8x128xf32, #tpu.memory_space<vmem>>)
    %dma_wait3A_1004 = arith.constant 30 : i32
    %dma_wait3A_1005 = arith.constant 0 : i32
    %dma_wait3A_1006 = arith.constant 0 : i32
    %dma_wait3A_1007 = tpu.memref_slice %arg6[%dma_wait3A_1004, %dma_wait3A_1005, %dma_wait3A_1006] : memref<32x8x128xf32, #tpu.memory_space<vmem>> -> memref<1x8x128xf32, #tpu.memory_space<vmem>>
    %dma_wait3A_1008 = tpu.memref_squeeze %dma_wait3A_1007 : memref<1x8x128xf32, #tpu.memory_space<vmem>> -> memref<8x128xf32, #tpu.memory_space<vmem>>
    %dma_wait3A_1009 = tpu.memref_slice %arg2[%multiple_of3A_637, %multiple_of3A_642] : memref<100000x1024xf32, #tpu.memory_space<hbm>> -> memref<8x128xf32, #tpu.memory_space<hbm>>
    %dma_wait3A_1010 = arith.constant 0 : i32
    %dma_wait3A_1011 = arith.constant 0 : i32
    %dma_wait3A_1012 = tpu.memref_slice %arg6[%dma_wait3A_1004, %dma_wait3A_1010, %dma_wait3A_1011] : memref<32x8x128xf32, #tpu.memory_space<vmem>> -> memref<1x8x128xf32, #tpu.memory_space<vmem>>
    %dma_wait3A_1013 = tpu.memref_squeeze %dma_wait3A_1012 : memref<1x8x128xf32, #tpu.memory_space<vmem>> -> memref<8x128xf32, #tpu.memory_space<vmem>>
    %dma_wait3A_1014 = tpu.memref_slice %arg2[%multiple_of3A_637, %multiple_of3A_642] : memref<100000x1024xf32, #tpu.memory_space<hbm>> -> memref<8x128xf32, #tpu.memory_space<hbm>>
    tpu.wait_dma2 semaphore(%arg7 : memref<!tpu.dma_semaphore, #tpu.memory_space<semaphore_mem>>) src(%dma_wait3A_1014 : memref<8x128xf32, #tpu.memory_space<hbm>>) dst(%dma_wait3A_1013 : memref<8x128xf32, #tpu.memory_space<vmem>>)
    %dma_wait3A_1015 = arith.constant 31 : i32
    %dma_wait3A_1016 = arith.constant 0 : i32
    %dma_wait3A_1017 = arith.constant 0 : i32
    %dma_wait3A_1018 = tpu.memref_slice %arg6[%dma_wait3A_1015, %dma_wait3A_1016, %dma_wait3A_1017] : memref<32x8x128xf32, #tpu.memory_space<vmem>> -> memref<1x8x128xf32, #tpu.memory_space<vmem>>
    %dma_wait3A_1019 = tpu.memref_squeeze %dma_wait3A_1018 : memref<1x8x128xf32, #tpu.memory_space<vmem>> -> memref<8x128xf32, #tpu.memory_space<vmem>>
    %dma_wait3A_1020 = tpu.memref_slice %arg2[%multiple_of3A_658, %multiple_of3A_663] : memref<100000x1024xf32, #tpu.memory_space<hbm>> -> memref<8x128xf32, #tpu.memory_space<hbm>>
    %dma_wait3A_1021 = arith.constant 0 : i32
    %dma_wait3A_1022 = arith.constant 0 : i32
    %dma_wait3A_1023 = tpu.memref_slice %arg6[%dma_wait3A_1015, %dma_wait3A_1021, %dma_wait3A_1022] : memref<32x8x128xf32, #tpu.memory_space<vmem>> -> memref<1x8x128xf32, #tpu.memory_space<vmem>>
    %dma_wait3A_1024 = tpu.memref_squeeze %dma_wait3A_1023 : memref<1x8x128xf32, #tpu.memory_space<vmem>> -> memref<8x128xf32, #tpu.memory_space<vmem>>
    %dma_wait3A_1025 = tpu.memref_slice %arg2[%multiple_of3A_658, %multiple_of3A_663] : memref<100000x1024xf32, #tpu.memory_space<hbm>> -> memref<8x128xf32, #tpu.memory_space<hbm>>
    tpu.wait_dma2 semaphore(%arg7 : memref<!tpu.dma_semaphore, #tpu.memory_space<semaphore_mem>>) src(%dma_wait3A_1025 : memref<8x128xf32, #tpu.memory_space<hbm>>) dst(%dma_wait3A_1024 : memref<8x128xf32, #tpu.memory_space<vmem>>)
    "tpu.region"() ({
      %run_scoped3A = tpu.sem_alloc : memref<!tpu.dma_semaphore, #tpu.memory_space<semaphore_mem>>
      %dma_start3A_1026 = arith.constant 0 : i32
      %dma_start3A_1027 = arith.constant 0 : i32
      %dma_start3A_1028 = tpu.memref_slice %arg4[%mul3A_2, %dma_start3A_1026, %dma_start3A_1027] : memref<1024x8x128xf32, #tpu.memory_space<hbm>> -> memref<32x8x128xf32, #tpu.memory_space<hbm>>
      %dma_start3A_1029 = arith.constant 0 : i32
      %dma_start3A_1030 = arith.constant 0 : i32
      %dma_start3A_1031 = tpu.memref_slice %arg4[%mul3A_2, %dma_start3A_1029, %dma_start3A_1030] : memref<1024x8x128xf32, #tpu.memory_space<hbm>> -> memref<32x8x128xf32, #tpu.memory_space<hbm>>
      tpu.enqueue_dma source(%arg6 : memref<32x8x128xf32, #tpu.memory_space<vmem>>) target(%dma_start3A_1031 : memref<32x8x128xf32, #tpu.memory_space<hbm>>) target_semaphore(%run_scoped3A : memref<!tpu.dma_semaphore, #tpu.memory_space<semaphore_mem>>)
      %dma_wait3A_1032 = arith.constant 0 : i32
      %dma_wait3A_1033 = arith.constant 0 : i32
      %dma_wait3A_1034 = tpu.memref_slice %arg4[%mul3A_2, %dma_wait3A_1032, %dma_wait3A_1033] : memref<1024x8x128xf32, #tpu.memory_space<hbm>> -> memref<32x8x128xf32, #tpu.memory_space<hbm>>
      %dma_wait3A_1035 = arith.constant 0 : i32
      %dma_wait3A_1036 = arith.constant 0 : i32
      %dma_wait3A_1037 = tpu.memref_slice %arg4[%mul3A_2, %dma_wait3A_1035, %dma_wait3A_1036] : memref<1024x8x128xf32, #tpu.memory_space<hbm>> -> memref<32x8x128xf32, #tpu.memory_space<hbm>>
      tpu.wait_dma2 semaphore(%run_scoped3A : memref<!tpu.dma_semaphore, #tpu.memory_space<semaphore_mem>>) src(%arg6 : memref<32x8x128xf32, #tpu.memory_space<vmem>>) dst(%dma_wait3A_1037 : memref<32x8x128xf32, #tpu.memory_space<hbm>>)
      tpu.yield
    }) : () -> ()
    return
  }
}

module attributes {stable_mosaic.version = 14 : i64} {
  func.func @_tc_loss_body(%arg0: i32, %arg1: memref<5000x1024xf32, #tpu.memory_space<vmem>>, %arg2: memref<1024x8x128xf32, #tpu.memory_space<vmem>>, %arg3: memref<1024x1xi32, #tpu.memory_space<vmem>>, %arg4: memref<1x1xf32, #tpu.memory_space<vmem>>, %arg5: memref<1x1024xf32, #tpu.memory_space<vmem>>, %arg6: memref<1x1024xf32, #tpu.memory_space<vmem>>, %arg7: memref<1x1024xf32, #tpu.memory_space<vmem>>) attributes {dimension_semantics = [#tpu.dimension_semantics<arbitrary>], iteration_bounds = array<i64: 20>, scalar_prefetch = 0 : i64, scratch_operands = 3 : i64, tpu.core_type = #tpu.core_type<tc>, window_params = [{transform_indices = @transform_0, window_bounds = array<i64: 5000, 1024>}, {pipeline_mode = #tpu.pipeline_mode<synchronous>, transform_indices = @transform_1, window_bounds = array<i64: 1024, 8, 128>}, {pipeline_mode = #tpu.pipeline_mode<synchronous>, transform_indices = @transform_2, window_bounds = array<i64: 1024, 1>}, {pipeline_mode = #tpu.pipeline_mode<synchronous>, transform_indices = @transform_3, window_bounds = array<i64: 1, 1>}]} {
    %eq3A = arith.constant 0 : i32
    %eq3A_0 = arith.cmpi eq, %arg0, %eq3A : i32
    %convert_element_type3A = arith.extui %eq3A_0 : i1 to i32
    %cond3A = arith.constant 0 : i32
    %cond3A_1 = arith.cmpi ne, %convert_element_type3A, %cond3A : i32
    scf.if %cond3A_1 {
      %broadcast_in_dim3A_36 = arith.constant 0xFF800000 : f32
      %broadcast_in_dim3A_37 = vector.broadcast %broadcast_in_dim3A_36 : f32 to vector<1x1024xf32>
      %swap3A_38 = arith.constant 0 : index
      %swap3A_39 = arith.constant 0 : index
      %swap3A_40 = vector.load %arg5[%swap3A_38, %swap3A_39] : memref<1x1024xf32, #tpu.memory_space<vmem>>, vector<1x1024xf32>
      tpu.vector_store %arg5[%swap3A_38, %swap3A_39], %broadcast_in_dim3A_37 {strides = array<i32>} : memref<1x1024xf32, #tpu.memory_space<vmem>>, vector<1x1024xf32>,
      %broadcast_in_dim3A_41 = arith.constant 0.000000e+00 : f32
      %broadcast_in_dim3A_42 = vector.broadcast %broadcast_in_dim3A_41 : f32 to vector<1x1024xf32>
      %swap3A_43 = arith.constant 0 : index
      %swap3A_44 = arith.constant 0 : index
      %swap3A_45 = vector.load %arg6[%swap3A_43, %swap3A_44] : memref<1x1024xf32, #tpu.memory_space<vmem>>, vector<1x1024xf32>
      tpu.vector_store %arg6[%swap3A_43, %swap3A_44], %broadcast_in_dim3A_42 {strides = array<i32>} : memref<1x1024xf32, #tpu.memory_space<vmem>>, vector<1x1024xf32>,
      %broadcast_in_dim3A_46 = arith.constant 0.000000e+00 : f32
      %broadcast_in_dim3A_47 = vector.broadcast %broadcast_in_dim3A_46 : f32 to vector<1x1024xf32>
      %swap3A_48 = arith.constant 0 : index
      %swap3A_49 = arith.constant 0 : index
      %swap3A_50 = vector.load %arg7[%swap3A_48, %swap3A_49] : memref<1x1024xf32, #tpu.memory_space<vmem>>, vector<1x1024xf32>
      tpu.vector_store %arg7[%swap3A_48, %swap3A_49], %broadcast_in_dim3A_47 {strides = array<i32>} : memref<1x1024xf32, #tpu.memory_space<vmem>>, vector<1x1024xf32>,
    } else {
    }
    %get3A = arith.constant 0 : index
    %get3A_2 = arith.constant 0 : index
    %get3A_3 = vector.load %arg1[%get3A, %get3A_2] : memref<5000x1024xf32, #tpu.memory_space<vmem>>, vector<5000x1024xf32>
    %get3A_4 = arith.constant 0 : index
    %get3A_5 = arith.constant 0 : index
    %get3A_6 = vector.load %arg5[%get3A_4, %get3A_5] : memref<1x1024xf32, #tpu.memory_space<vmem>>, vector<1x1024xf32>
    %reduce_max3A = arith.constant dense<0xFF800000> : vector<1024xf32>
    %reduce_max3A_7 = vector.multi_reduction <maximumf>, %get3A_3, %reduce_max3A [0] : vector<5000x1024xf32> to vector<1024xf32>
    %broadcast_in_dim3A = vector.shape_cast %reduce_max3A_7 : vector<1024xf32> to vector<1x1024xf32>
    %max3A = arith.maximumf %get3A_6, %broadcast_in_dim3A : vector<1x1024xf32>
    %get3A_8 = arith.constant 0 : index
    %get3A_9 = arith.constant 0 : index
    %get3A_10 = vector.load %arg6[%get3A_8, %get3A_9] : memref<1x1024xf32, #tpu.memory_space<vmem>>, vector<1x1024xf32>
    %sub3A = arith.subf %get3A_6, %max3A : vector<1x1024xf32>
    %exp3A = math.exp %sub3A : vector<1x1024xf32>
    %mul3A = arith.mulf %get3A_10, %exp3A : vector<1x1024xf32>
    %sub3A_11 = vector.broadcast %max3A : vector<1x1024xf32> to vector<5000x1024xf32>
    %sub3A_12 = arith.subf %get3A_3, %sub3A_11 : vector<5000x1024xf32>
    %exp3A_13 = math.exp %sub3A_12 : vector<5000x1024xf32>
    %reduce_sum3A = arith.constant dense<0.000000e+00> : vector<1024xf32>
    %reduce_sum3A_14 = vector.multi_reduction <add>, %exp3A_13, %reduce_sum3A [0] : vector<5000x1024xf32> to vector<1024xf32>
    %broadcast_in_dim3A_15 = vector.shape_cast %reduce_sum3A_14 : vector<1024xf32> to vector<1x1024xf32>
    %add3A = arith.addf %mul3A, %broadcast_in_dim3A_15 : vector<1x1024xf32>
    %swap3A = arith.constant 0 : index
    %swap3A_16 = arith.constant 0 : index
    %swap3A_17 = vector.load %arg6[%swap3A, %swap3A_16] : memref<1x1024xf32, #tpu.memory_space<vmem>>, vector<1x1024xf32>
    tpu.vector_store %arg6[%swap3A, %swap3A_16], %add3A {strides = array<i32>} : memref<1x1024xf32, #tpu.memory_space<vmem>>, vector<1x1024xf32>,
    %get3A_18 = arith.constant 0 : index
    %get3A_19 = arith.constant 0 : index
    %get3A_20 = vector.load %arg7[%get3A_18, %get3A_19] : memref<1x1024xf32, #tpu.memory_space<vmem>>, vector<1x1024xf32>
    %reduce_sum3A_21 = arith.constant dense<0.000000e+00> : vector<1024xf32>
    %reduce_sum3A_22 = vector.multi_reduction <add>, %get3A_3, %reduce_sum3A_21 [0] : vector<5000x1024xf32> to vector<1024xf32>
    %broadcast_in_dim3A_23 = vector.shape_cast %reduce_sum3A_22 : vector<1024xf32> to vector<1x1024xf32>
    %add3A_24 = arith.addf %get3A_20, %broadcast_in_dim3A_23 : vector<1x1024xf32>
    %swap3A_25 = arith.constant 0 : index
    %swap3A_26 = arith.constant 0 : index
    %swap3A_27 = vector.load %arg7[%swap3A_25, %swap3A_26] : memref<1x1024xf32, #tpu.memory_space<vmem>>, vector<1x1024xf32>
    tpu.vector_store %arg7[%swap3A_25, %swap3A_26], %add3A_24 {strides = array<i32>} : memref<1x1024xf32, #tpu.memory_space<vmem>>, vector<1x1024xf32>,
    %swap3A_28 = arith.constant 0 : index
    %swap3A_29 = arith.constant 0 : index
    %swap3A_30 = vector.load %arg5[%swap3A_28, %swap3A_29] : memref<1x1024xf32, #tpu.memory_space<vmem>>, vector<1x1024xf32>
    tpu.vector_store %arg5[%swap3A_28, %swap3A_29], %max3A {strides = array<i32>} : memref<1x1024xf32, #tpu.memory_space<vmem>>, vector<1x1024xf32>,
    %eq3A_31 = arith.constant 19 : i32
    %eq3A_32 = arith.cmpi eq, %arg0, %eq3A_31 : i32
    %convert_element_type3A_33 = arith.extui %eq3A_32 : i1 to i32
    %cond3A_34 = arith.constant 0 : i32
    %cond3A_35 = arith.cmpi ne, %convert_element_type3A_33, %cond3A_34 : i32
    scf.if %cond3A_35 {
      %get3A_36 = arith.constant 0 : index
      %get3A_37 = arith.constant 0 : index
      %get3A_38 = vector.load %arg5[%get3A_36, %get3A_37] : memref<1x1024xf32, #tpu.memory_space<vmem>>, vector<1x1024xf32>
      %get3A_39 = arith.constant 0 : index
      %get3A_40 = arith.constant 0 : index
      %get3A_41 = vector.load %arg6[%get3A_39, %get3A_40] : memref<1x1024xf32, #tpu.memory_space<vmem>>, vector<1x1024xf32>
      %log3A = math.log %get3A_41 : vector<1x1024xf32>
      %add3A_42 = arith.addf %get3A_38, %log3A : vector<1x1024xf32>
      %reduce_sum3A_43 = vector.shape_cast %add3A_42 : vector<1x1024xf32> to vector<1x1x1024xf32>
      %reduce_sum3A_44 = arith.constant dense<0.000000e+00> : vector<1xf32>
      %reduce_sum3A_45 = vector.multi_reduction <add>, %reduce_sum3A_43, %reduce_sum3A_44 [1, 2] : vector<1x1x1024xf32> to vector<1xf32>
      %reduce_sum3A_46 = vector.shape_cast %reduce_sum3A_45 : vector<1xf32> to vector<1x1x1xf32>
      %reduce_sum3A_47 = vector.extract %reduce_sum3A_46[0, 0, 0] : f32 from vector<1x1x1xf32>
      %mul3A_48 = arith.constant 1.000000e+00 : f32
      %mul3A_49 = arith.mulf %mul3A_48, %reduce_sum3A_47 : f32
      %get3A_50 = arith.constant 0 : index
      %get3A_51 = arith.constant 0 : index
      %get3A_52 = vector.load %arg7[%get3A_50, %get3A_51] : memref<1x1024xf32, #tpu.memory_space<vmem>>, vector<1x1024xf32>
      %reduce_sum3A_53 = vector.shape_cast %get3A_52 : vector<1x1024xf32> to vector<1x1x1024xf32>
      %reduce_sum3A_54 = arith.constant dense<0.000000e+00> : vector<1xf32>
      %reduce_sum3A_55 = vector.multi_reduction <add>, %reduce_sum3A_53, %reduce_sum3A_54 [1, 2] : vector<1x1x1024xf32> to vector<1xf32>
      %reduce_sum3A_56 = vector.shape_cast %reduce_sum3A_55 : vector<1xf32> to vector<1x1x1xf32>
      %reduce_sum3A_57 = vector.extract %reduce_sum3A_56[0, 0, 0] : f32 from vector<1x1x1xf32>
      %mul3A_58 = arith.constant 1.000010e-06 : f32
      %mul3A_59 = arith.mulf %mul3A_58, %reduce_sum3A_57 : f32
      %sub3A_60 = arith.subf %mul3A_49, %mul3A_59 : f32
      %get3A_61 = arith.constant 0 : index
      %get3A_62 = arith.constant 0 : index
      %get3A_63 = vector.load %arg3[%get3A_61, %get3A_62] : memref<1024x1xi32, #tpu.memory_space<vmem>>, vector<1024x1xi32>
      %reshape3A = vector.shape_cast %get3A_63 : vector<1024x1xi32> to vector<1024x1x1xi32>
      %iota3A = tpu.iota {dimensions = array<i32: 0>} : vector<1024x1x1xi32>
      %iota3A_64 = tpu.iota {dimensions = array<i32: 1>} : vector<1024x8x128xi32>
      %iota3A_65 = tpu.iota {dimensions = array<i32: 2>} : vector<1024x8x128xi32>
      %and3A = arith.constant 7 : i32
      %and3A_66 = vector.broadcast %and3A : i32 to vector<1024x1x1xi32>
      %and3A_67 = arith.andi %reshape3A, %and3A_66 : vector<1024x1x1xi32>
      %eq3A_68 = vector.broadcast %and3A_67 : vector<1024x1x1xi32> to vector<1024x8x128xi32>
      %eq3A_69 = arith.cmpi eq, %iota3A_64, %eq3A_68 : vector<1024x8x128xi32>
      %and3A_70 = arith.constant 127 : i32
      %and3A_71 = vector.broadcast %and3A_70 : i32 to vector<1024x1x1xi32>
      %and3A_72 = arith.andi %iota3A, %and3A_71 : vector<1024x1x1xi32>
      %eq3A_73 = vector.broadcast %and3A_72 : vector<1024x1x1xi32> to vector<1024x8x128xi32>
      %eq3A_74 = arith.cmpi eq, %iota3A_65, %eq3A_73 : vector<1024x8x128xi32>
      %and3A_75 = arith.andi %eq3A_69, %eq3A_74 : vector<1024x8x128xi1>
      %get3A_76 = arith.constant 0 : index
      %get3A_77 = arith.constant 0 : index
      %get3A_78 = arith.constant 0 : index
      %get3A_79 = vector.load %arg2[%get3A_76, %get3A_77, %get3A_78] : memref<1024x8x128xf32, #tpu.memory_space<vmem>>, vector<1024x8x128xf32>
      %jit3A = arith.constant 0.000000e+00 : f32
      %broadcast_in_dim3A_80 = vector.broadcast %jit3A : f32 to vector<1024x8x128xf32>
      %select_n3A = arith.select %and3A_75, %get3A_79, %broadcast_in_dim3A_80 : vector<1024x8x128xi1>, vector<1024x8x128xf32>
      %reduce_sum3A_81 = vector.shape_cast %select_n3A : vector<1024x8x128xf32> to vector<1x1024x8x128xf32>
      %reduce_sum3A_82 = arith.constant dense<0.000000e+00> : vector<1xf32>
      %reduce_sum3A_83 = vector.multi_reduction <add>, %reduce_sum3A_81, %reduce_sum3A_82 [1, 2, 3] : vector<1x1024x8x128xf32> to vector<1xf32>
      %reduce_sum3A_84 = vector.shape_cast %reduce_sum3A_83 : vector<1xf32> to vector<1x1x1x1xf32>
      %reduce_sum3A_85 = vector.extract %reduce_sum3A_84[0, 0, 0, 0] : f32 from vector<1x1x1x1xf32>
      %add3A_86 = arith.constant -1511.8075 : f32
      %add3A_87 = arith.addf %add3A_86, %sub3A_60 : f32
      %mul3A_88 = arith.constant 8.999990e-01 : f32
      %mul3A_89 = arith.mulf %mul3A_88, %reduce_sum3A_85 : f32
      %sub3A_90 = arith.subf %add3A_87, %mul3A_89 : f32
      %div3A = arith.constant 1.024000e+03 : f32
      %div3A_91 = arith.divf %sub3A_90, %div3A : f32
      %broadcast_in_dim3A_92 = vector.broadcast %div3A_91 : f32 to vector<1x1xf32>
      %swap3A_93 = arith.constant 0 : index
      %swap3A_94 = arith.constant 0 : index
      %swap3A_95 = vector.load %arg4[%swap3A_93, %swap3A_94] : memref<1x1xf32, #tpu.memory_space<vmem>>, vector<1x1xf32>
      tpu.vector_store %arg4[%swap3A_93, %swap3A_94], %broadcast_in_dim3A_92 {strides = array<i32>} : memref<1x1xf32, #tpu.memory_space<vmem>>, vector<1x1xf32>,
    } else {
    }
    return
  }
  func.func @transform_0(%arg0: i32) -> (i32, i32) {
    %c0_i32 = arith.constant 0 : i32
    %c0_i32_0 = arith.constant 0 : i32
    return %arg0, %c0_i32 : i32, i32
  }
  func.func @transform_1(%arg0: i32) -> (i32, i32, i32) {
    %c0_i32 = arith.constant 0 : i32
    %c0_i32_0 = arith.constant 0 : i32
    %c0_i32_1 = arith.constant 0 : i32
    %c0_i32_2 = arith.constant 0 : i32
    return %c0_i32, %c0_i32_0, %c0_i32_1 : i32, i32, i32
  }
  func.func @transform_2(%arg0: i32) -> (i32, i32) {
    %c0_i32 = arith.constant 0 : i32
    %c0_i32_0 = arith.constant 0 : i32
    %c0_i32_1 = arith.constant 0 : i32
    return %c0_i32, %c0_i32_0 : i32, i32
  }
  func.func @transform_3(%arg0: i32) -> (i32, i32) {
    %c0_i32 = arith.constant 0 : i32
    %c0_i32_0 = arith.constant 0 : i32
    %c0_i32_1 = arith.constant 0 : i32
    return %c0_i32, %c0_i32_0 : i32, i32
  }
}

</mosaic_0001>

<sc_bundles>
// kernel: kernel.4.cloned.1.call-start
scs
__scs_entry_jumppad:
0x0: {  	(pc) =	sbr.rel $0x88, $3  }
0x1: {  	(tag) =	ssettag $0x0;
	lr =	simm.s32 $0x1  }
0x2: {  	[smem:$0x3F9F] =	sst lr;
	_ =	strace $0xD0000000  }
0x3: {  	_ = 	snop  }
0x4: {  	_ = 	snop  }
0x5: {  	_ = 	snop  }
0x6: {  	_ = 	snop  }
0x7: {  	_ = 	snop  }
__scs_overlays_trampoline_lowered:
0x8: {  	[smem:$0x3FAE] =	sst s0  }
0x9: {  	[smem:$0x3FAF] =	sst s1  }
0xa: {  	[smem:$0x3FB0] =	sst s2  }
0xb: {  	[smem:$0x3FB1] =	sst s3  }
0xc: {  	[smem:$0x3FB2] =	sst s4  }
0xd: {  	[smem:$0x3FB3] =	sst s5  }
0xe: {  	[smem:$0x3FB4] =	sst s6  }
0xf: {  	[smem:$0x3FB5] =	sst s7  }
0x10: {  	[smem:$0x3FB6] =	sst s8  }
0x11: {  	[smem:$0x3FB7] =	sst s9;
	s0 =	simm.s32 @!p0 $0x0  }
0x12: {  	s1 =	sld [smem:$0x3F9D];
	s0 =	simm.s32 @p0 $0x1  }
0x13: {  	[smem:$0x3FB8] =	sst s0;
	s0 =	simm.s32 @!p1 $0x0  }
0x14: {  	s2 =	sld [smem:$0x3F9C];
	s0 =	simm.s32 @p1 $0x1  }
0x15: {  	[smem:$0x3FB9] =	sst s0;
	s0 =	simm.s32 @!p2 $0x0  }
0x16: {  	s3 =	sld [smem:$0x3FDB];
	s0 =	simm.s32 @p2 $0x1  }
0x17: {  	s4 =	simm.s32 $0x1BF5;
	[smem:$0x3FBB] =	sst s0  }
0x18: {  	s0 =	sld [smem:$0x3F9E];
	_ =	swait.ge [sflag:s4], $0x0  }
0x19: {  	s7 =	sld [smem:$0x3F9F]  }
0x1a: {  	s8 =	sadd.s32 $0xFFFFE003, lr  }
0x1b: {  	s9 =	sadd.s32 $0xFFFFFEF7, lr;
	s5 =	simm.s32 $0xFFFFFFFF;
	p2 =	slt.u32 s8, $0xFFFFF086  }
0x1c: {  	p1 =	slt.u32 s9, $0xF7A;
	s5 =	simm.s32 @!p2 $0x0  }
0x1d: {  	s5 =	simm.s32 @p1 $0x1;
	p0 =	seq.s32 s7, s2  }
0x1e: {  	s7 =	smul.u32 @!p0 $0xF7A, s2;
	p2 =	seq.s32 @!p0 s5, $0x0  }
0x1f: {  	s9 =	smul.u32 $0xF7A, s1;
	s8 =	simm.s32 @!p0 $0x1BF5;
	p2 =	por !p2, p0  }
0x20: {  	[sflag:s8] =	ssyncset.s32 @!p0 $0xFFFFF086;
	s6 =	sadd.s32 @!p0 s3, s7;
	s7 =	simm.s32 @!p0 $0x108  }
0x21: {  	s3 =	sadd.s32 s3, s9;
	s6 =	sadd.s32 @!p0 $0x88, s6;
	s7 =	simm.s32 @p2 $0x1082  }
0x22: {  	[simem:s7], [sflag:s8] =	dma.local @!p0 [hbm:s6], $0xF7A  }
0x23: {  	s9 =	sor.u32 $0xD0000000, s2;
	s6 =	simm.s32 $0x108;
	_ =	swait.ge @!p0 [sflag:s8], $0x0  }
0x24: {  	s3 =	sadd.s32 $0x88, s3;
	s6 =	simm.s32 @!p1 $0x1082;
	[sflag:s4] =	ssyncset.s32 $0xFFFFF086  }
0x25: {  	[simem:s6], [sflag:s4] =	dma.local [hbm:s3], $0xF7A  }
0x26: {  	[smem:$0x3F9F] =	sst s1;
	(tag) =	ssettag s2;
	_ =	strace s9  }
0x27: {  	s1 =	sld [smem:$0x3FAF]  }
0x28: {  	s2 =	sld [smem:$0x3FB0]  }
0x29: {  	s4 =	sld [smem:$0x3FB2]  }
0x2a: {  	p0 =	seq.s32 s5, $0x0;
	s5 =	sld [smem:$0x3FB3]  }
0x2b: {  	s6 =	sld [smem:$0x3FB4]  }
0x2c: {  	s7 =	sld [smem:$0x3FB5]  }
0x2d: {  	s3 =	simm.s32 $0x108;
	s8 =	sld [smem:$0x3FB6]  }
0x2e: {  	s3 =	simm.s32 @!p0 $0x1082;
	s9 =	sld [smem:$0x3FB7]  }
0x2f: {  	lr =	sadd.s32 s0, s3;
	s0 =	sld [smem:$0x3FAE]  }
0x30: {  	s3 =	sld [smem:$0x3FB1]  }
0x31: {  	[smem:$0x3FBA] =	sst s10  }
0x32: {  	s10 =	sld [smem:$0x3FB8];
	_ =	sdelay $0x3  }
0x33: {  	p0 =	seq.s32 s10, $0x1;
	s10 =	sld [smem:$0x3FBA];
	_ =	sdelay $0x3  }
0x34: {  	[smem:$0x3FBA] =	sst s10  }
0x35: {  	s10 =	sld [smem:$0x3FB9];
	_ =	sdelay $0x3  }
0x36: {  	p1 =	seq.s32 s10, $0x1;
	s10 =	sld [smem:$0x3FBA];
	_ =	sdelay $0x3  }
0x37: {  	[smem:$0x3FBA] =	sst s10  }
0x38: {  	s10 =	sld [smem:$0x3FBB]  }
0x39: {  	_ = 	snop;
	(pc) =	sbr.ind lr, $3  }
0x3a: {  	_ = 	snop  }
0x3b: {  	_ = 	snop  }
0x3c: {  	p2 =	seq.s32 s10, $0x1;
	s10 =	sld [smem:$0x3FBA]  }
0x3d: {  	_ =	shalt  }
0x3e: {  	_ =	shalt  }
0x3f: {  	_ =	shalt  }
0x40: {  	_ =	shalt  }
0x41: {  	_ =	shalt  }
0x42: {  	_ =	shalt  }
0x43: {  	_ =	shalt  }
0x44: {  	_ =	shalt  }
0x45: {  	_ =	shalt  }
0x46: {  	_ =	shalt  }
0x47: {  	_ =	shalt  }
0x48: {  	_ =	shalt  }
0x49: {  	_ =	shalt  }
0x4a: {  	_ =	shalt  }
0x4b: {  	_ =	shalt  }
0x4c: {  	_ =	shalt  }
0x4d: {  	_ =	shalt  }
0x4e: {  	_ =	shalt  }
0x4f: {  	_ =	shalt  }
0x50: {  	_ =	shalt  }
0x51: {  	_ =	shalt  }
0x52: {  	_ =	shalt  }
0x53: {  	_ =	shalt  }
0x54: {  	_ =	shalt  }
0x55: {  	_ =	shalt  }
0x56: {  	_ =	shalt  }
0x57: {  	_ =	shalt  }
0x58: {  	_ =	shalt  }
0x59: {  	_ =	shalt  }
0x5a: {  	_ =	shalt  }
0x5b: {  	_ =	shalt  }
0x5c: {  	_ =	shalt  }
0x5d: {  	_ =	shalt  }
0x5e: {  	_ =	shalt  }
0x5f: {  	_ =	shalt  }
0x60: {  	_ =	shalt  }
0x61: {  	_ =	shalt  }
0x62: {  	_ =	shalt  }
0x63: {  	_ =	shalt  }
0x64: {  	_ =	shalt  }
0x65: {  	_ =	shalt  }
0x66: {  	_ =	shalt  }
0x67: {  	_ =	shalt  }
0x68: {  	_ =	shalt  }
0x69: {  	_ =	shalt  }
0x6a: {  	_ =	shalt  }
0x6b: {  	_ =	shalt  }
0x6c: {  	_ =	shalt  }
0x6d: {  	_ =	shalt  }
0x6e: {  	_ =	shalt  }
0x6f: {  	_ =	shalt  }
0x70: {  	_ =	shalt  }
0x71: {  	_ =	shalt  }
0x72: {  	_ =	shalt  }
0x73: {  	_ =	shalt  }
0x74: {  	_ =	shalt  }
0x75: {  	_ =	shalt  }
0x76: {  	_ =	shalt  }
0x77: {  	_ =	shalt  }
0x78: {  	_ =	shalt  }
0x79: {  	_ =	shalt  }
0x7a: {  	_ =	shalt  }
0x7b: {  	_ =	shalt  }
0x7c: {  	_ =	shalt  }
0x7d: {  	_ =	shalt  }
0x7e: {  	_ =	shalt  }
0x7f: {  	_ =	shalt  }
0x80: {  	_ =	shalt  }
0x81: {  	_ =	shalt  }
0x82: {  	_ =	shalt  }
0x83: {  	_ =	shalt  }
0x84: {  	_ =	shalt  }
0x85: {  	_ =	shalt  }
0x86: {  	_ =	shalt  }
0x87: {  	_ =	shalt  }
.Lfunc_end0:
.L_simem_size_0:
called_computation_lowered:
.L_overlay_start_0:
0x88: {  	s2 =	sld [smem:$0x3FD9]  }
0x89: {  	s3 =	sld [smem:$0x3FFE];
	_ =	sdelay $0x1  }
0x8a: {  	s1 =	srdreg.scid  }
0x8b: {  	s0 =	sand.u32 $0x1, s1  }
0x8c: {  	s17 =	sshll.u32 s0, $0xA;
	s2 =	sadd.s32 s3, s2  }
0x8d: {  	s2 =	sadd.s32 s2, s17  }
0x8e: {  	[smem:$0x3FC6] =	sst s2  }
0x8f: {  	_ = 	snop  }
0x90: {  	s2 =	sld [smem:$0x3FC9]  }
0x91: {  	s18 =	sld [smem:$0x3FC8];
	(tm) =	ssettm $0x1  }
0x92: {  	s4 =	sld [smem:$0x3FFB];
	_ =	sdelay $0x3  }
0x93: {  	_ =	strace s4  }
0x94: {  	s4 =	sld [smem:$0x3FFC];
	_ =	sdelay $0x3  }
0x95: {  	_ =	strace s4  }
0x96: {  	s4 =	sld [smem:$0x3FFD];
	_ =	sdelay $0x3  }
0x97: {  	_ =	strace s4  }
0x98: {  	_ =	strace $0x8FFFFFFF  }
0x99: {  	s19 =	sld [smem:$0x3FDB];
	_ =	sdelay $0x1  }
0x9a: {  	s5 =	simm.s32 $_scs_section_size  }
0x9b: {  	s6 =	simm.s32 $_size__tile_overlayer_lowered;
	s7 =	simm.s32 $_tile_overlayer_lowered  }
0x9c: {  	s22 =	simm.s32 $0x1BFF;
	s21 =	sshll.u32 s7, $0x1;
	s4 =	sadd.s32 s5, s19  }
0x9d: {  	s8 =	simm.s32 $0x0;
	s20 =	sshll.u32 s6, $0x1;
	s6 =	sadd.s32 s21, s4  }
0x9e: {  	[timem:s8], [sflag:s22] =	dma.local [hbm:s6], s20  }
0x9f: {  	_ =	swait.ge [sflag:s22], s20  }
0xa0: {  	s5 =	ssub.s32 $0x0, s20;
	[sflag:s22] =	ssyncset.done $0x0  }
0xa1: {  	[sflag:s22] =	ssyncadd.s32 s5;
	_ =	sdelay $0x1  }
0xa2: {  	s23 =	simm.s32 $0x1B8B  }
0xa3: {  	_ =	swait.ge [sflag:s23], $0x1  }
0xa4: {  	[sflag:s23] =	ssyncset.done $0x0  }
0xa5: {  	s25 =	simm.s32 $0x1B8E;
	s24 =	sld [smem:$0x3FFE];
	[sflag:s23] =	ssyncadd.s32 $0xFFFFFFFF  }
0xa6: {  	s26 =	simm.s32 $execute0_lowered;
	[smem:$0x3FD2] =	sst s25  }
0xa7: {  	s6 =	sshll.u32 s26, $0x1;
	_ =	strace $0x80000046;
	[dreg:$0x1] =	wrdreg $0xFFFFFFFF  }
0xa8: {  	s28 =	simm.s32 $_size_execute0_lowered;
	s4 =	sadd.s32 s4, s6;
	[dreg:$0x0] =	wrdreg $0x0  }
0xa9: {  	s6 =	sshll.u32 s28, $0x1;
	[dreg:$0x2] =	wrdreg s4  }
0xaa: {  	[dreg:$0x3] =	wrdreg s6  }
0xab: {  	[dreg:$0x4] =	wrdreg $0xC0  }
0xac: {  	_ =	task [dreg:s8], $0x5FFFF  }
0xad: {  	[dreg:$0x1] =	wrdreg $0xFFFFFFFF  }
0xae: {  	[dreg:$0x0] =	wrdreg $0x60  }
0xaf: {  	[dreg:$0x2] =	wrdreg s2  }
0xb0: {  	[dreg:$0x3] =	wrdreg s18  }
0xb1: {  	[dreg:$0x4] =	wrdreg s24  }
0xb2: {  	[dreg:$0x5] =	wrdreg $0x9  }
0xb3: {  	_ =	task.clear_ibuf [dreg:s8], $0x6FFFF;
	_ =	strace $0x90000046  }
0xb4: {  	s29 =	simm.s32 $0x9;
	_ =	strace $0x80000048  }
0xb5: {  	_ =	swait.ge [sflag:s29], $0x1  }
0xb6: {  	[sflag:s29] =	ssyncadd.s32 $0xFFFFFFFF  }
0xb7: {  	_ =	strace $0x90000048  }
0xb8: {  	_ =	sfence  }
0xb9: {  	s30 =	sld [smem:$0x0];
	_ =	sdelay $0x2  }
0xba: {  	s31 =	sshll.u32 s1, $0xD;
	s1 =	sshrl.u32 s1, $0x2  }
0xbb: {  	s3 =	sand.u32 $0x4000, s31;
	s1 =	sadd.s32 s1, s30  }
0xbc: {  	s0 =	sor.u32 s3, s0;
	s1 =	sshll.u32 s1, $0x11  }
0xbd: {  	s0 =	sor.u32 s1, s0  }
0xbe: {  	s0 =	sadd.s32 $0x8F2B, s0  }
0xbf: {  	[sflag:s0] =	ssyncadd.remote.s32 $0x1  }
0xc0: {  	_ =	sfence.sel $0xFFFF  }
0xc1: {  	[dreg:$0x0] =	wrdreg $0xFFFFFFFF;
	(pc) =	sbr.abs _section_cstart, $3  }
0xc2: {  	[dreg:$0x1] =	wrdreg $0xFFFFFFFF  }
0xc3: {  	_ =	task.clear_ibuf [dreg:s8], $0x2FFFF;
	_ =	strace $0x9FFFFFFF  }
0xc4: {  	(tm) =	ssettm $0x7FFFFFFF  }
0xc5: {  	_ =	shalt  }
tec
execute0_lowered:
.L_overlay_start_1:
0x0: {  	(tag) =	ssettag $0x1  }
0x1: {  	s3 =	rddreg [dreg:$0x0]  }
0x2: {  	s4 =	rddreg [dreg:$0x1]  }
0x3: {  	s1 =	srdreg.scid;
	s5 =	rddreg [dreg:$0x2]  }
0x4: {  	s2 =	simm.s32 $0x0;
	s8 =	sand.u32 $0x1, s1;
	s1 =	rddreg [dreg:$0x3]  }
0x5: {  	s11 =	simm.s32 $0x480;
	[smem:$0x7FF] =	sst s2  }
0x6: {  	s12 =	simm.s32 $0x880;
	_ =	strace $0x80000047;
	[dreg:$0x6] =	wrdreg s11  }
0x7: {  	s13 =	simm.s32 $0xC80;
	[dreg:$0x7] =	wrdreg s12  }
0x8: {  	s14 =	simm.s32 $0x1080;
	[dreg:$0x8] =	wrdreg s13  }
0x9: {  	s15 =	simm.s32 $0x1480;
	[dreg:$0x9] =	wrdreg s14  }
0xa: {  	s16 =	simm.s32 $0x1880;
	[dreg:$0xa] =	wrdreg s15  }
0xb: {  	s17 =	simm.s32 $0x1C80;
	[dreg:$0xb] =	wrdreg s16  }
0xc: {  	s18 =	simm.s32 $0x2080;
	[dreg:$0xc] =	wrdreg s17  }
0xd: {  	s19 =	simm.s32 $0x2480;
	[dreg:$0xd] =	wrdreg s18  }
0xe: {  	s20 =	simm.s32 $0x2880;
	[dreg:$0xe] =	wrdreg s19  }
0xf: {  	s21 =	simm.s32 $0x2C80;
	[dreg:$0xf] =	wrdreg s20  }
0x10: {  	s22 =	simm.s32 $0x3080;
	[dreg:$0x10] =	wrdreg s21  }
0x11: {  	s23 =	simm.s32 $0x3480;
	[dreg:$0x11] =	wrdreg s22  }
0x12: {  	s24 =	simm.s32 $0x3880;
	[dreg:$0x12] =	wrdreg s23  }
0x13: {  	s25 =	simm.s32 $0x3C80;
	[dreg:$0x13] =	wrdreg s24  }
0x14: {  	s26 =	simm.s32 $0x4080;
	[dreg:$0x14] =	wrdreg s25  }
0x15: {  	s28 =	simm.s32 $0x4480;
	[dreg:$0x15] =	wrdreg s26  }
0x16: {  	s29 =	simm.s32 $0x4880;
	[dreg:$0x16] =	wrdreg s28  }
0x17: {  	s30 =	simm.s32 $0x4C80;
	[dreg:$0x17] =	wrdreg s29  }
0x18: {  	s31 =	simm.s32 $0x5080;
	[dreg:$0x18] =	wrdreg s30  }
0x19: {  	s9 =	simm.s32 $0x6080;
	[dreg:$0x19] =	wrdreg s31  }
0x1a: {  	s0 =	stileid.u32;
	[dreg:$0x1d] =	wrdreg s9;
	s11 =	simm.s32 $0x6880  }
0x1b: {  	s6 =	sshll.u32 s0, $0x6;
	s12 =	simm.s32 $0x6C80;
	[dreg:$0x1f] =	wrdreg s11  }
0x1c: {  	s7 =	sshll.u32 s8, $0x5;
	s13 =	simm.s32 $0x7080;
	[smem:$0x7F9] =	sst s12  }
0x1d: {  	s14 =	simm.s32 $0x7480;
	s15 =	simm.s32 $0x7880;
	[smem:$0x7FA] =	sst s13  }
0x1e: {  	s17 =	simm.s32 $0x7C80;
	s6 =	sor.u32 s7, s6;
	[smem:$0x7FB] =	sst s14  }
0x1f: {  	[smem:$0x7FC] =	sst s15;
	s7 =	sshll.u32 s6, $0x7;
	s6 =	sshrl.u32 s6, $0x3  }
0x20: {  	[smem:$0x7FD] =	sst s17;
	s4 =	sadd.s32 s4, s6  }
0x21: {  	s6 =	simm.s32 $0x5880;
	[dreg:$0x4] =	wrdreg s4  }
0x22: {  	s5 =	sadd.s32 s7, s5;
	s7 =	simm.s32 $0x5C80;
	[dreg:$0x1b] =	wrdreg s6  }
0x23: {  	s10 =	sadd.s32 $0x600, s5;
	[dreg:$0x1c] =	wrdreg s7  }
0x24: {  	s5 =	simm.s32 $0x5480;
	[dreg:$0x5] =	wrdreg s10  }
0x25: {  	[dreg:$0x1a] =	wrdreg s5  }
0x26: {  	s10 =	simm.s32 $0x6480;
	s16 =	rddreg [dreg:$0x4]  }
0x27: {  	s4 =	simm.s32 $0x2;
	[dreg:$0x1e] =	wrdreg s10  }
0x28: {  	[tilespmem:s2], [sflag:$0x2] =	stream.linear.gather [hbm4b:s16+s2], $0x20, $0x38;
	[tilespmem:$0x8080] =	vst v63  }
0x29: {  	_ =	swait.ge [sflag:s4], $0x20  }
0x2a: {  	[sflag:s4] =	ssyncset.done $0x0  }
0x2b: {  	[sflag:s4] =	ssyncadd.s32 $0xFFFFFFE0  }
0x2c: {  	v0 =	vld [tilespmem:$0x0];
	_ =	sdelay $0x4  }
0x2d: {  	v0 =	vshll.u32 v0, $0xA  }
0x2e: {  	(v2sf) =	vpush v0, $0x1  }
0x2f: {  	(v2sf) =	vpush v0, $0x0;
	_ =	sdelay $0x2  }
0x30: {  	(v2sf) =	vpush v0, $0x2  }
0x31: {  	(v2sf) =	vpush v0, $0x6;
	_ =	sdelay $0x1  }
0x32: {  	(v2sf) =	vpush v0, $0x3;
	_ =	sdelay $0x2  }
0x33: {  	(v2sf) =	vpush v0, $0x4;
	_ =	sdelay $0x4  }
0x34: {  	s19 =	sshll.u32 s0, $0x9;
	s18 =	spop (v2sf)  }
0x35: {  	s6 =	sand.u32 $0x1C00, s19;
	s9 =	spop (v2sf)  }
0x36: {  	s5 =	simm.s32 $0x80;
	s7 =	sand.u32 $0x7FFFE000, s18;
	s9 =	sand.u32 $0x7FFFE000, s9  }
0x37: {  	s11 =	rddreg [dreg:$0x6];
	(v2sf) =	vpush v0, $0x5;
	s7 =	sor.u32 s6, s7;
	s9 =	sor.u32 s6, s9  }
0x38: {  	s10 =	spop (v2sf);
	s7 =	sshrl.u32 s7, $0x3;
	s9 =	sshrl.u32 s9, $0x3  }
0x39: {  	(v2sf) =	vpush v0, $0x7;
	s20 =	sand.u32 $0x7FFFE000, s10;
	s22 =	spop (v2sf);
	s9 =	sadd.s32 s3, s9  }
0x3a: {  	(v2sf) =	vpush v0, $0x8;
	[tilespmem:s5], [sflag:$0x1] =	stream.linear.gather [hbm4b:s9+s2], $0x400, $0x38;
	[tilespmem:$0x8080] =	vst v63  }
0x3b: {  	s7 =	sadd.s32 s3, s7;
	s23 =	spop (v2sf);
	s9 =	sor.u32 s6, s20  }
0x3c: {  	[tilespmem:s11], [sflag:$0x1] =	stream.linear.gather [hbm4b:s7+s2], $0x400, $0x38;
	[tilespmem:$0x8080] =	vst v63  }
0x3d: {  	s21 =	rddreg [dreg:$0x7];
	(v2sf) =	vpush v0, $0x9;
	s9 =	sshrl.u32 s9, $0x3;
	s11 =	sand.u32 $0x7FFFE000, s23  }
0x3e: {  	s26 =	spop (v2sf);
	s9 =	sadd.s32 s3, s9;
	s25 =	sor.u32 s6, s11  }
0x3f: {  	[tilespmem:s21], [sflag:$0x1] =	stream.linear.gather [hbm4b:s9+s2], $0x400, $0x38;
	[tilespmem:$0x8080] =	vst v63  }
0x40: {  	s11 =	sand.u32 $0x7FFFE000, s26;
	s9 =	sshrl.u32 s25, $0x3  }
0x41: {  	s24 =	rddreg [dreg:$0x8];
	s29 =	sor.u32 s6, s11;
	s9 =	sadd.s32 s3, s9  }
0x42: {  	[tilespmem:s24], [sflag:$0x1] =	stream.linear.gather [hbm4b:s9+s2], $0x400, $0x38;
	[tilespmem:$0x8080] =	vst v63  }
0x43: {  	s28 =	rddreg [dreg:$0x9];
	s9 =	sshrl.u32 s29, $0x3  }
0x44: {  	s31 =	rddreg [dreg:$0xa];
	s9 =	sadd.s32 s3, s9  }
0x45: {  	[tilespmem:s28], [sflag:$0x1] =	stream.linear.gather [hbm4b:s9+s2], $0x400, $0x38;
	[tilespmem:$0x8080] =	vst v63  }
0x46: {  	s12 =	rddreg [dreg:$0xb];
	s30 =	spop (v2sf);
	(v2sf) =	vpush v0, $0xA  }
0x47: {  	s15 =	rddreg [dreg:$0xc];
	s10 =	sand.u32 $0x7FFFE000, s22;
	s11 =	sand.u32 $0x7FFFE000, s30  }
0x48: {  	s13 =	sor.u32 s6, s10;
	(v2sf) =	vpush v0, $0xB;
	s14 =	spop (v2sf);
	s11 =	sor.u32 s6, s11  }
0x49: {  	s10 =	sand.u32 $0x7FFFE000, s14;
	s16 =	spop (v2sf);
	s9 =	sshrl.u32 s11, $0x3  }
0x4a: {  	(v2sf) =	vpush v0, $0xC;
	s10 =	sor.u32 s6, s10;
	s7 =	sand.u32 $0x7FFFE000, s16;
	s9 =	sadd.s32 s3, s9  }
0x4b: {  	[tilespmem:s31], [sflag:$0x1] =	stream.linear.gather [hbm4b:s9+s2], $0x400, $0x38;
	[tilespmem:$0x8080] =	vst v63  }
0x4c: {  	s19 =	spop (v2sf);
	s17 =	sshrl.u32 s10, $0x3;
	s9 =	sshrl.u32 s13, $0x3  }
0x4d: {  	(v2sf) =	vpush v0, $0xD;
	s7 =	sor.u32 s6, s7;
	s10 =	sand.u32 $0x7FFFE000, s19;
	s9 =	sadd.s32 s3, s9  }
0x4e: {  	[tilespmem:s12], [sflag:$0x1] =	stream.linear.gather [hbm4b:s9+s2], $0x400, $0x38;
	[tilespmem:$0x8080] =	vst v63  }
0x4f: {  	s7 =	sshrl.u32 s7, $0x3;
	s10 =	sor.u32 s6, s10;
	s9 =	sadd.s32 s3, s17  }
0x50: {  	(v2sf) =	vpush v0, $0xE;
	[tilespmem:s15], [sflag:$0x1] =	stream.linear.gather [hbm4b:s9+s2], $0x400, $0x38;
	[tilespmem:$0x8080] =	vst v63  }
0x51: {  	s18 =	rddreg [dreg:$0xd];
	s7 =	sadd.s32 s3, s7;
	s22 =	sshrl.u32 s10, $0x3  }
0x52: {  	[tilespmem:s18], [sflag:$0x1] =	stream.linear.gather [hbm4b:s7+s2], $0x400, $0x38;
	[tilespmem:$0x8080] =	vst v63  }
0x53: {  	s20 =	rddreg [dreg:$0xe];
	s9 =	sadd.s32 s3, s22  }
0x54: {  	[tilespmem:s20], [sflag:$0x1] =	stream.linear.gather [hbm4b:s9+s2], $0x400, $0x38;
	[tilespmem:$0x8080] =	vst v63  }
0x55: {  	s21 =	spop (v2sf)  }
0x56: {  	s7 =	sand.u32 $0x7FFFE000, s21  }
0x57: {  	s24 =	spop (v2sf);
	s7 =	sor.u32 s6, s7  }
0x58: {  	s23 =	rddreg [dreg:$0xf];
	(v2sf) =	vpush v0, $0xF;
	s10 =	sand.u32 $0x7FFFE000, s24;
	s7 =	sshrl.u32 s7, $0x3  }
0x59: {  	s26 =	spop (v2sf);
	s10 =	sor.u32 s6, s10;
	s7 =	sadd.s32 s3, s7  }
0x5a: {  	[tilespmem:s23], [sflag:$0x1] =	stream.linear.gather [hbm4b:s7+s2], $0x400, $0x38;
	[tilespmem:$0x8080] =	vst v63  }
0x5b: {  	s25 =	rddreg [dreg:$0x10];
	s28 =	sshrl.u32 s10, $0x3;
	s7 =	sand.u32 $0x7FFFE000, s26  }
0x5c: {  	s30 =	spop (v2sf);
	s9 =	sadd.s32 s3, s28;
	s7 =	sor.u32 s6, s7  }
0x5d: {  	[tilespmem:s25], [sflag:$0x1] =	stream.linear.gather [hbm4b:s9+s2], $0x400, $0x38;
	[tilespmem:$0x8080] =	vst v63  }
0x5e: {  	s29 =	rddreg [dreg:$0x11];
	s10 =	sand.u32 $0x7FFFE000, s30;
	s7 =	sshrl.u32 s7, $0x3  }
0x5f: {  	s12 =	spop (v2sf);
	s10 =	sor.u32 s6, s10;
	s7 =	sadd.s32 s3, s7  }
0x60: {  	[tilespmem:s29], [sflag:$0x1] =	stream.linear.gather [hbm4b:s7+s2], $0x400, $0x38;
	[tilespmem:$0x8080] =	vst v63  }
0x61: {  	s13 =	sshrl.u32 s10, $0x3;
	s7 =	sand.u32 $0x7FFFE000, s12  }
0x62: {  	s31 =	rddreg [dreg:$0x12];
	s9 =	sadd.s32 s3, s13;
	s7 =	sor.u32 s6, s7  }
0x63: {  	[tilespmem:s31], [sflag:$0x1] =	stream.linear.gather [hbm4b:s9+s2], $0x400, $0x38;
	[tilespmem:$0x8080] =	vst v63  }
0x64: {  	s7 =	sshrl.u32 s7, $0x3  }
0x65: {  	s14 =	rddreg [dreg:$0x13];
	s7 =	sadd.s32 s3, s7  }
0x66: {  	[tilespmem:s14], [sflag:$0x1] =	stream.linear.gather [hbm4b:s7+s2], $0x400, $0x38;
	[tilespmem:$0x8080] =	vst v63  }
0x67: {  	s15 =	spop (v2sf)  }
0x68: {  	s10 =	sand.u32 $0x7FFFE000, s15  }
0x69: {  	s10 =	sor.u32 s6, s10  }
0x6a: {  	s17 =	sshrl.u32 s10, $0x3  }
0x6b: {  	s16 =	rddreg [dreg:$0x14];
	s7 =	sadd.s32 s3, s17  }
0x6c: {  	[tilespmem:s16], [sflag:$0x1] =	stream.linear.gather [hbm4b:s7+s2], $0x400, $0x38;
	[tilespmem:$0x8080] =	vst v63  }
0x6d: {  	v63 =	vld [tilespmem:$0x10];
	_ =	sdelay $0x4  }
0x6e: {  	v0 =	vshll.u32 v63, $0xA  }
0x6f: {  	(v2sf) =	vpush v0, $0x2  }
0x70: {  	(v2sf) =	vpush v0, $0x0;
	_ =	sdelay $0x2  }
0x71: {  	(v2sf) =	vpush v0, $0x3  }
0x72: {  	(v2sf) =	vpush v0, $0x1;
	_ =	sdelay $0x9  }
0x73: {  	s18 =	spop (v2sf)  }
0x74: {  	s19 =	spop (v2sf)  }
0x75: {  	s9 =	sand.u32 $0x7FFFE000, s19  }
0x76: {  	(v2sf) =	vpush v0, $0x4;
	s9 =	sor.u32 s6, s9  }
0x77: {  	s21 =	spop (v2sf);
	s9 =	sshrl.u32 s9, $0x3  }
0x78: {  	s20 =	rddreg [dreg:$0x15];
	s22 =	spop (v2sf);
	s9 =	sadd.s32 s3, s9  }
0x79: {  	[tilespmem:s20], [sflag:$0x1] =	stream.linear.gather [hbm4b:s9+s2], $0x400, $0x38;
	[tilespmem:$0x8080] =	vst v63  }
0x7a: {  	(v2sf) =	vpush v0, $0x5;
	s9 =	sand.u32 $0x7FFFE000, s22  }
0x7b: {  	s7 =	sand.u32 $0x7FFFE000, s18;
	s9 =	sor.u32 s6, s9  }
0x7c: {  	s7 =	sor.u32 s6, s7;
	s9 =	sshrl.u32 s9, $0x3  }
0x7d: {  	s23 =	rddreg [dreg:$0x16];
	s7 =	sshrl.u32 s7, $0x3;
	s9 =	sadd.s32 s3, s9  }
0x7e: {  	[tilespmem:s23], [sflag:$0x1] =	stream.linear.gather [hbm4b:s9+s2], $0x400, $0x38;
	[tilespmem:$0x8080] =	vst v63  }
0x7f: {  	s24 =	rddreg [dreg:$0x17];
	(v2sf) =	vpush v0, $0x6;
	s25 =	sand.u32 $0x7FFFE000, s21;
	s7 =	sadd.s32 s3, s7  }
0x80: {  	[tilespmem:s24], [sflag:$0x1] =	stream.linear.gather [hbm4b:s7+s2], $0x400, $0x38;
	[tilespmem:$0x8080] =	vst v63  }
0x81: {  	s7 =	sor.u32 s6, s25  }
0x82: {  	s7 =	sshrl.u32 s7, $0x3  }
0x83: {  	s26 =	rddreg [dreg:$0x18];
	s7 =	sadd.s32 s3, s7  }
0x84: {  	[tilespmem:s26], [sflag:$0x1] =	stream.linear.gather [hbm4b:s7+s2], $0x400, $0x38;
	[tilespmem:$0x8080] =	vst v63  }
0x85: {  	s28 =	spop (v2sf)  }
0x86: {  	(v2sf) =	vpush v0, $0x7;
	s7 =	sand.u32 $0x7FFFE000, s28  }
0x87: {  	s7 =	sor.u32 s6, s7  }
0x88: {  	s7 =	sshrl.u32 s7, $0x3  }
0x89: {  	s29 =	rddreg [dreg:$0x19];
	s30 =	spop (v2sf);
	s7 =	sadd.s32 s3, s7  }
0x8a: {  	(v2sf) =	vpush v0, $0x8;
	[tilespmem:s29], [sflag:$0x1] =	stream.linear.gather [hbm4b:s7+s2], $0x400, $0x38;
	[tilespmem:$0x8080] =	vst v63  }
0x8b: {  	s7 =	sand.u32 $0x7FFFE000, s30  }
0x8c: {  	s7 =	sor.u32 s6, s7  }
0x8d: {  	s7 =	sshrl.u32 s7, $0x3  }
0x8e: {  	s31 =	rddreg [dreg:$0x1a];
	s10 =	spop (v2sf);
	s7 =	sadd.s32 s3, s7  }
0x8f: {  	(v2sf) =	vpush v0, $0x9;
	[tilespmem:s31], [sflag:$0x1] =	stream.linear.gather [hbm4b:s7+s2], $0x400, $0x38;
	[tilespmem:$0x8080] =	vst v63  }
0x90: {  	s7 =	sand.u32 $0x7FFFE000, s10  }
0x91: {  	s7 =	sor.u32 s6, s7  }
0x92: {  	s7 =	sshrl.u32 s7, $0x3  }
0x93: {  	s11 =	rddreg [dreg:$0x1b];
	s7 =	sadd.s32 s3, s7  }
0x94: {  	[tilespmem:s11], [sflag:$0x1] =	stream.linear.gather [hbm4b:s7+s2], $0x400, $0x38;
	[tilespmem:$0x8080] =	vst v63  }
0x95: {  	s12 =	spop (v2sf)  }
0x96: {  	(v2sf) =	vpush v0, $0xA;
	s7 =	sand.u32 $0x7FFFE000, s12  }
0x97: {  	s7 =	sor.u32 s6, s7  }
0x98: {  	s7 =	sshrl.u32 s7, $0x3  }
0x99: {  	s13 =	rddreg [dreg:$0x1c];
	s14 =	spop (v2sf);
	s7 =	sadd.s32 s3, s7  }
0x9a: {  	(v2sf) =	vpush v0, $0xB;
	[tilespmem:s13], [sflag:$0x1] =	stream.linear.gather [hbm4b:s7+s2], $0x400, $0x38;
	[tilespmem:$0x8080] =	vst v63  }
0x9b: {  	s7 =	sand.u32 $0x7FFFE000, s14  }
0x9c: {  	s7 =	sor.u32 s6, s7  }
0x9d: {  	s7 =	sshrl.u32 s7, $0x3  }
0x9e: {  	s15 =	rddreg [dreg:$0x1d];
	s16 =	spop (v2sf);
	s7 =	sadd.s32 s3, s7  }
0x9f: {  	(v2sf) =	vpush v0, $0xC;
	[tilespmem:s15], [sflag:$0x1] =	stream.linear.gather [hbm4b:s7+s2], $0x400, $0x38;
	[tilespmem:$0x8080] =	vst v63  }
0xa0: {  	s7 =	sand.u32 $0x7FFFE000, s16  }
0xa1: {  	s7 =	sor.u32 s6, s7  }
0xa2: {  	s7 =	sshrl.u32 s7, $0x3  }
0xa3: {  	s17 =	rddreg [dreg:$0x1e];
	s7 =	sadd.s32 s3, s7  }
0xa4: {  	[tilespmem:s17], [sflag:$0x1] =	stream.linear.gather [hbm4b:s7+s2], $0x400, $0x38;
	[tilespmem:$0x8080] =	vst v63  }
0xa5: {  	s18 =	spop (v2sf)  }
0xa6: {  	(v2sf) =	vpush v0, $0xD;
	s7 =	sand.u32 $0x7FFFE000, s18  }
0xa7: {  	s7 =	sor.u32 s6, s7  }
0xa8: {  	s7 =	sshrl.u32 s7, $0x3  }
0xa9: {  	s19 =	rddreg [dreg:$0x1f];
	s20 =	spop (v2sf);
	s7 =	sadd.s32 s3, s7  }
0xaa: {  	(v2sf) =	vpush v0, $0xE;
	[tilespmem:s19], [sflag:$0x1] =	stream.linear.gather [hbm4b:s7+s2], $0x400, $0x38;
	[tilespmem:$0x8080] =	vst v63  }
0xab: {  	s7 =	sand.u32 $0x7FFFE000, s20  }
0xac: {  	s21 =	sld [smem:$0x7F9];
	s7 =	sor.u32 s6, s7  }
0xad: {  	s7 =	sshrl.u32 s7, $0x3  }
0xae: {  	s22 =	spop (v2sf);
	s7 =	sadd.s32 s3, s7  }
0xaf: {  	(v2sf) =	vpush v0, $0xF;
	[tilespmem:s21], [sflag:$0x1] =	stream.linear.gather [hbm4b:s7+s2], $0x400, $0x38;
	[tilespmem:$0x8080] =	vst v63  }
0xb0: {  	s7 =	sand.u32 $0x7FFFE000, s22  }
0xb1: {  	s23 =	sld [smem:$0x7FA];
	s7 =	sor.u32 s6, s7  }
0xb2: {  	s7 =	sshrl.u32 s7, $0x3  }
0xb3: {  	s7 =	sadd.s32 s3, s7  }
0xb4: {  	[tilespmem:s23], [sflag:$0x1] =	stream.linear.gather [hbm4b:s7+s2], $0x400, $0x38;
	[tilespmem:$0x8080] =	vst v63  }
0xb5: {  	s24 =	spop (v2sf)  }
0xb6: {  	s7 =	sand.u32 $0x7FFFE000, s24  }
0xb7: {  	s25 =	sld [smem:$0x7FB];
	s7 =	sor.u32 s6, s7  }
0xb8: {  	s7 =	sshrl.u32 s7, $0x3  }
0xb9: {  	s26 =	spop (v2sf);
	s7 =	sadd.s32 s3, s7  }
0xba: {  	[tilespmem:s25], [sflag:$0x1] =	stream.linear.gather [hbm4b:s7+s2], $0x400, $0x38;
	[tilespmem:$0x8080] =	vst v63  }
0xbb: {  	s7 =	sand.u32 $0x7FFFE000, s26  }
0xbc: {  	s28 =	sld [smem:$0x7FC];
	s7 =	sor.u32 s6, s7  }
0xbd: {  	s7 =	sshrl.u32 s7, $0x3  }
0xbe: {  	s29 =	spop (v2sf);
	s7 =	sadd.s32 s3, s7  }
0xbf: {  	[tilespmem:s28], [sflag:$0x1] =	stream.linear.gather [hbm4b:s7+s2], $0x400, $0x38;
	[tilespmem:$0x8080] =	vst v63  }
0xc0: {  	s7 =	sand.u32 $0x7FFFE000, s29  }
0xc1: {  	s30 =	sld [smem:$0x7FD];
	s7 =	sor.u32 s6, s7  }
0xc2: {  	s7 =	sshrl.u32 s7, $0x3  }
0xc3: {  	s7 =	sadd.s32 s3, s7  }
0xc4: {  	[tilespmem:s30], [sflag:$0x1] =	stream.linear.gather [hbm4b:s7+s2], $0x400, $0x38;
	[tilespmem:$0x8080] =	vst v63  }
0xc5: {  	s7 =	simm.s32 $0x1  }
0xc6: {  	_ =	swait.ge [sflag:s7], $0x400  }
0xc7: {  	[sflag:s7] =	ssyncset.done $0x0  }
0xc8: {  	[sflag:s7] =	ssyncadd.s32 $0xFFFFFC00  }
0xc9: {  	_ =	swait.ge [sflag:s7], $0x400  }
0xca: {  	[sflag:s7] =	ssyncset.done $0x0  }
0xcb: {  	[sflag:s7] =	ssyncadd.s32 $0xFFFFFC00  }
0xcc: {  	_ =	swait.ge [sflag:s7], $0x400  }
0xcd: {  	[sflag:s7] =	ssyncset.done $0x0  }
0xce: {  	[sflag:s7] =	ssyncadd.s32 $0xFFFFFC00  }
0xcf: {  	_ =	swait.ge [sflag:s7], $0x400  }
0xd0: {  	[sflag:s7] =	ssyncset.done $0x0  }
0xd1: {  	[sflag:s7] =	ssyncadd.s32 $0xFFFFFC00  }
0xd2: {  	_ =	swait.ge [sflag:s7], $0x400  }
0xd3: {  	[sflag:s7] =	ssyncset.done $0x0  }
0xd4: {  	[sflag:s7] =	ssyncadd.s32 $0xFFFFFC00  }
0xd5: {  	_ =	swait.ge [sflag:s7], $0x400  }
0xd6: {  	[sflag:s7] =	ssyncset.done $0x0  }
0xd7: {  	[sflag:s7] =	ssyncadd.s32 $0xFFFFFC00  }
0xd8: {  	_ =	swait.ge [sflag:s7], $0x400  }
0xd9: {  	[sflag:s7] =	ssyncset.done $0x0  }
0xda: {  	[sflag:s7] =	ssyncadd.s32 $0xFFFFFC00  }
0xdb: {  	_ =	swait.ge [sflag:s7], $0x400  }
0xdc: {  	[sflag:s7] =	ssyncset.done $0x0  }
0xdd: {  	[sflag:s7] =	ssyncadd.s32 $0xFFFFFC00  }
0xde: {  	_ =	swait.ge [sflag:s7], $0x400  }
0xdf: {  	[sflag:s7] =	ssyncset.done $0x0  }
0xe0: {  	[sflag:s7] =	ssyncadd.s32 $0xFFFFFC00  }
0xe1: {  	_ =	swait.ge [sflag:s7], $0x400  }
0xe2: {  	[sflag:s7] =	ssyncset.done $0x0  }
0xe3: {  	[sflag:s7] =	ssyncadd.s32 $0xFFFFFC00  }
0xe4: {  	_ =	swait.ge [sflag:s7], $0x400  }
0xe5: {  	[sflag:s7] =	ssyncset.done $0x0  }
0xe6: {  	[sflag:s7] =	ssyncadd.s32 $0xFFFFFC00  }
0xe7: {  	_ =	swait.ge [sflag:s7], $0x400  }
0xe8: {  	[sflag:s7] =	ssyncset.done $0x0  }
0xe9: {  	[sflag:s7] =	ssyncadd.s32 $0xFFFFFC00  }
0xea: {  	_ =	swait.ge [sflag:s7], $0x400  }
0xeb: {  	[sflag:s7] =	ssyncset.done $0x0  }
0xec: {  	[sflag:s7] =	ssyncadd.s32 $0xFFFFFC00  }
0xed: {  	_ =	swait.ge [sflag:s7], $0x400  }
0xee: {  	[sflag:s7] =	ssyncset.done $0x0  }
0xef: {  	[sflag:s7] =	ssyncadd.s32 $0xFFFFFC00  }
0xf0: {  	_ =	swait.ge [sflag:s7], $0x400  }
0xf1: {  	[sflag:s7] =	ssyncset.done $0x0  }
0xf2: {  	[sflag:s7] =	ssyncadd.s32 $0xFFFFFC00  }
0xf3: {  	_ =	swait.ge [sflag:s7], $0x400  }
0xf4: {  	[sflag:s7] =	ssyncset.done $0x0  }
0xf5: {  	[sflag:s7] =	ssyncadd.s32 $0xFFFFFC00  }
0xf6: {  	_ =	swait.ge [sflag:s7], $0x400  }
0xf7: {  	[sflag:s7] =	ssyncset.done $0x0  }
0xf8: {  	[sflag:s7] =	ssyncadd.s32 $0xFFFFFC00  }
0xf9: {  	_ =	swait.ge [sflag:s7], $0x400  }
0xfa: {  	[sflag:s7] =	ssyncset.done $0x0  }
0xfb: {  	[sflag:s7] =	ssyncadd.s32 $0xFFFFFC00  }
0xfc: {  	_ =	swait.ge [sflag:s7], $0x400  }
0xfd: {  	[sflag:s7] =	ssyncset.done $0x0  }
0xfe: {  	[sflag:s7] =	ssyncadd.s32 $0xFFFFFC00  }
0xff: {  	_ =	swait.ge [sflag:s7], $0x400  }
0x100: {  	[sflag:s7] =	ssyncset.done $0x0  }
0x101: {  	[sflag:s7] =	ssyncadd.s32 $0xFFFFFC00  }
0x102: {  	_ =	swait.ge [sflag:s7], $0x400  }
0x103: {  	[sflag:s7] =	ssyncset.done $0x0  }
0x104: {  	[sflag:s7] =	ssyncadd.s32 $0xFFFFFC00  }
0x105: {  	_ =	swait.ge [sflag:s7], $0x400  }
0x106: {  	[sflag:s7] =	ssyncset.done $0x0  }
0x107: {  	[sflag:s7] =	ssyncadd.s32 $0xFFFFFC00  }
0x108: {  	_ =	swait.ge [sflag:s7], $0x400  }
0x109: {  	[sflag:s7] =	ssyncset.done $0x0  }
0x10a: {  	[sflag:s7] =	ssyncadd.s32 $0xFFFFFC00  }
0x10b: {  	s8 =	ssub.s32 $0x2, s8;
	_ =	swait.ge [sflag:s7], $0x400  }
0x10c: {  	s31 =	sshrl.u32 s8, $0x1;
	[sflag:s7] =	ssyncset.done $0x0  }
0x10d: {  	s8 =	ssub.s32 s8, s31;
	[sflag:s7] =	ssyncadd.s32 $0xFFFFFC00  }
0x10e: {  	s8 =	smax.u32 s8, $0x1;
	_ =	swait.ge [sflag:s7], $0x400  }
0x10f: {  	p0 =	sne.s32 s8, $0x1;
	[sflag:s7] =	ssyncset.done $0x0  }
.Ltmp0:
0x110: {  	[sflag:s7] =	ssyncadd.s32 $0xFFFFFC00;
	(pc) =	sbr.rel @!p0 .LBB2_2-.Ltmp0, $4  }
0x111: {  	_ =	swait.ge [sflag:s7], $0x400  }
0x112: {  	[sflag:s7] =	ssyncset.done $0x0  }
0x113: {  	[sflag:s7] =	ssyncadd.s32 $0xFFFFFC00  }
0x114: {  	s8 =	sadd.s32 $0xFFFFFFFF, s8;
	_ =	swait.ge [sflag:s7], $0x400  }
.LBB2_1:
0x115: {  	[sflag:s7] =	ssyncset.done $0x0  }
0x116: {  	[sflag:s7] =	ssyncadd.s32 $0xFFFFFC00  }
0x117: {  	_ =	swait.ge [sflag:s7], $0x400  }
0x118: {  	[sflag:s7] =	ssyncset.done $0x0  }
0x119: {  	[sflag:s7] =	ssyncadd.s32 $0xFFFFFC00  }
0x11a: {  	_ =	swait.ge [sflag:s7], $0x400  }
0x11b: {  	[sflag:s7] =	ssyncset.done $0x0  }
0x11c: {  	[sflag:s7] =	ssyncadd.s32 $0xFFFFFC00  }
0x11d: {  	_ =	swait.ge [sflag:s7], $0x400  }
0x11e: {  	[sflag:s7] =	ssyncset.done $0x0  }
0x11f: {  	[sflag:s7] =	ssyncadd.s32 $0xFFFFFC00  }
0x120: {  	_ =	swait.ge [sflag:s7], $0x400  }
0x121: {  	[sflag:s7] =	ssyncset.done $0x0  }
0x122: {  	[sflag:s7] =	ssyncadd.s32 $0xFFFFFC00  }
0x123: {  	_ =	swait.ge [sflag:s7], $0x400  }
0x124: {  	[sflag:s7] =	ssyncset.done $0x0  }
0x125: {  	s9 =	rddreg [dreg:$0x5];
	[sflag:s7] =	ssyncadd.s32 $0xFFFFFC00  }
0x126: {  	[hbm4b:s9+s2] =	stream.linear.scatter [tilespmem:s5], [sflag:$0x2], $0x8000, $0x38;
	[tilespmem:$0x8080] =	vst v63  }
0x127: {  	_ =	swait.ge [sflag:s4], $0x8000  }
0x128: {  	[sflag:s4] =	ssyncset.done $0x0  }
0x129: {  	s29 =	rddreg [dreg:$0x4];
	[sflag:s4] =	ssyncadd.s32 $0xFFFF8000  }
0x12a: {  	[tilespmem:s2], [sflag:$0x2] =	stream.linear.gather [hbm4b:s29+s2], $0x20, $0x38;
	[tilespmem:$0x8080] =	vst v63  }
0x12b: {  	_ =	swait.ge [sflag:s4], $0x20  }
0x12c: {  	[sflag:s4] =	ssyncset.done $0x0  }
0x12d: {  	[sflag:s4] =	ssyncadd.s32 $0xFFFFFFE0  }
0x12e: {  	v0 =	vld [tilespmem:$0x0];
	_ =	sdelay $0x4  }
0x12f: {  	v0 =	vshll.u32 v0, $0xA  }
0x130: {  	(v2sf) =	vpush v0, $0x1  }
0x131: {  	(v2sf) =	vpush v0, $0x0;
	_ =	sdelay $0x1  }
0x132: {  	(v2sf) =	vpush v0, $0x2  }
0x133: {  	(v2sf) =	vpush v0, $0x6;
	_ =	sdelay $0x1  }
0x134: {  	(v2sf) =	vpush v0, $0x3;
	_ =	sdelay $0x1  }
0x135: {  	(v2sf) =	vpush v0, $0x4  }
0x136: {  	(v2sf) =	vpush v0, $0x5  }
0x137: {  	s13 =	rddreg [dreg:$0xf]  }
0x138: {  	s14 =	rddreg [dreg:$0xe]  }
0x139: {  	s16 =	rddreg [dreg:$0xc]  }
0x13a: {  	s18 =	rddreg [dreg:$0xa]  }
0x13b: {  	s19 =	rddreg [dreg:$0x9]  }
0x13c: {  	s20 =	rddreg [dreg:$0x8];
	s21 =	spop (v2sf)  }
0x13d: {  	s22 =	rddreg [dreg:$0x7];
	s23 =	spop (v2sf)  }
0x13e: {  	s25 =	rddreg [dreg:$0x6];
	(v2sf) =	vpush v0, $0x7;
	s21 =	sand.u32 $0x7FFFE000, s21;
	s23 =	sand.u32 $0x7FFFE000, s23  }
0x13f: {  	s24 =	spop (v2sf);
	s21 =	sor.u32 s6, s21;
	s23 =	sor.u32 s6, s23  }
0x140: {  	s24 =	sand.u32 $0x7FFFE000, s24;
	s21 =	sshrl.u32 s21, $0x3;
	s26 =	spop (v2sf)  }
0x141: {  	(v2sf) =	vpush v0, $0x8;
	s23 =	sshrl.u32 s23, $0x3;
	s24 =	sor.u32 s6, s24;
	s21 =	sadd.s32 s3, s21  }
0x142: {  	s28 =	spop (v2sf);
	s23 =	sadd.s32 s3, s23;
	s24 =	sshrl.u32 s24, $0x3  }
0x143: {  	(v2sf) =	vpush v0, $0x9;
	[tilespmem:s5], [sflag:$0x1] =	stream.linear.gather [hbm4b:s23+s2], $0x400, $0x38;
	[tilespmem:$0x8080] =	vst v63  }
0x144: {  	s30 =	sand.u32 $0x7FFFE000, s28;
	s31 =	spop (v2sf);
	s23 =	sadd.s32 s3, s24  }
0x145: {  	s29 =	sor.u32 s6, s30;
	s30 =	sand.u32 $0x7FFFE000, s31;
	s31 =	spop (v2sf)  }
0x146: {  	[tilespmem:s25], [sflag:$0x1] =	stream.linear.gather [hbm4b:s21+s2], $0x400, $0x38;
	[tilespmem:$0x8080] =	vst v63  }
0x147: {  	(v2sf) =	vpush v0, $0xA;
	s24 =	sor.u32 s6, s30;
	s21 =	sshrl.u32 s29, $0x3;
	s25 =	sand.u32 $0x7FFFE000, s31  }
0x148: {  	[tilespmem:s22], [sflag:$0x1] =	stream.linear.gather [hbm4b:s23+s2], $0x400, $0x38;
	[tilespmem:$0x8080] =	vst v63  }
0x149: {  	(v2sf) =	vpush v0, $0xB;
	s28 =	sshrl.u32 s24, $0x3;
	s29 =	sor.u32 s6, s25;
	s21 =	sadd.s32 s3, s21  }
0x14a: {  	(v2sf) =	vpush v0, $0xC;
	[tilespmem:s20], [sflag:$0x1] =	stream.linear.gather [hbm4b:s21+s2], $0x400, $0x38;
	[tilespmem:$0x8080] =	vst v63  }
0x14b: {  	s30 =	sand.u32 $0x7FFFE000, s26;
	s22 =	sadd.s32 s3, s28;
	s23 =	sshrl.u32 s29, $0x3  }
0x14c: {  	[tilespmem:s19], [sflag:$0x1] =	stream.linear.gather [hbm4b:s22+s2], $0x400, $0x38;
	[tilespmem:$0x8080] =	vst v63  }
0x14d: {  	s31 =	sadd.s32 s3, s23;
	s23 =	sor.u32 s6, s30;
	s24 =	spop (v2sf)  }
0x14e: {  	[tilespmem:s18], [sflag:$0x1] =	stream.linear.gather [hbm4b:s31+s2], $0x400, $0x38;
	[tilespmem:$0x8080] =	vst v63  }
0x14f: {  	s17 =	rddreg [dreg:$0xb];
	s25 =	sshrl.u32 s23, $0x3;
	s26 =	sand.u32 $0x7FFFE000, s24  }
0x150: {  	s29 =	sadd.s32 s3, s25;
	s28 =	spop (v2sf);
	s30 =	sor.u32 s6, s26  }
0x151: {  	[tilespmem:s17], [sflag:$0x1] =	stream.linear.gather [hbm4b:s29+s2], $0x400, $0x38;
	[tilespmem:$0x8080] =	vst v63  }
0x152: {  	s31 =	sand.u32 $0x7FFFE000, s28;
	s19 =	sshrl.u32 s30, $0x3;
	s21 =	spop (v2sf)  }
0x153: {  	(v2sf) =	vpush v0, $0xD;
	s20 =	sor.u32 s6, s31;
	s17 =	sadd.s32 s3, s19;
	s19 =	sand.u32 $0x7FFFE000, s21  }
0x154: {  	(v2sf) =	vpush v0, $0xE;
	[tilespmem:s16], [sflag:$0x1] =	stream.linear.gather [hbm4b:s17+s2], $0x400, $0x38;
	[tilespmem:$0x8080] =	vst v63  }
0x155: {  	s15 =	rddreg [dreg:$0xd];
	(v2sf) =	vpush v0, $0xF;
	s18 =	sshrl.u32 s20, $0x3;
	s23 =	sor.u32 s6, s19  }
0x156: {  	s22 =	sadd.s32 s3, s18;
	s24 =	spop (v2sf);
	s25 =	sshrl.u32 s23, $0x3  }
0x157: {  	[tilespmem:s15], [sflag:$0x1] =	stream.linear.gather [hbm4b:s22+s2], $0x400, $0x38;
	[tilespmem:$0x8080] =	vst v63  }
0x158: {  	s26 =	sand.u32 $0x7FFFE000, s24;
	s28 =	spop (v2sf);
	s15 =	sadd.s32 s3, s25  }
0x159: {  	s16 =	sor.u32 s6, s26;
	s17 =	sand.u32 $0x7FFFE000, s28;
	s31 =	spop (v2sf)  }
0x15a: {  	s29 =	sshrl.u32 s16, $0x3;
	s30 =	sor.u32 s6, s17;
	s16 =	sand.u32 $0x7FFFE000, s31  }
0x15b: {  	[tilespmem:s14], [sflag:$0x1] =	stream.linear.gather [hbm4b:s15+s2], $0x400, $0x38;
	[tilespmem:$0x8080] =	vst v63  }
0x15c: {  	s14 =	sadd.s32 s3, s29;
	s15 =	sshrl.u32 s30, $0x3;
	s17 =	sor.u32 s6, s16  }
0x15d: {  	[tilespmem:s13], [sflag:$0x1] =	stream.linear.gather [hbm4b:s14+s2], $0x400, $0x38;
	[tilespmem:$0x8080] =	vst v63  }
0x15e: {  	s12 =	rddreg [dreg:$0x10];
	s15 =	sadd.s32 s3, s15;
	s19 =	sshrl.u32 s17, $0x3  }
0x15f: {  	[tilespmem:s12], [sflag:$0x1] =	stream.linear.gather [hbm4b:s15+s2], $0x400, $0x38;
	[tilespmem:$0x8080] =	vst v63  }
0x160: {  	s11 =	rddreg [dreg:$0x11];
	s12 =	sadd.s32 s3, s19  }
0x161: {  	[tilespmem:s11], [sflag:$0x1] =	stream.linear.gather [hbm4b:s12+s2], $0x400, $0x38;
	[tilespmem:$0x8080] =	vst v63  }
0x162: {  	s18 =	spop (v2sf)  }
0x163: {  	s10 =	rddreg [dreg:$0x12];
	s20 =	sand.u32 $0x7FFFE000, s18;
	s21 =	spop (v2sf)  }
0x164: {  	s13 =	sor.u32 s6, s20;
	s14 =	sand.u32 $0x7FFFE000, s21;
	s24 =	spop (v2sf)  }
0x165: {  	s22 =	sshrl.u32 s13, $0x3;
	s23 =	sor.u32 s6, s14;
	s13 =	sand.u32 $0x7FFFE000, s24  }
0x166: {  	s11 =	sadd.s32 s3, s22;
	s12 =	sshrl.u32 s23, $0x3;
	s26 =	sor.u32 s6, s13  }
0x167: {  	[tilespmem:s10], [sflag:$0x1] =	stream.linear.gather [hbm4b:s11+s2], $0x400, $0x38;
	[tilespmem:$0x8080] =	vst v63  }
0x168: {  	s9 =	rddreg [dreg:$0x13];
	s25 =	sadd.s32 s3, s12;
	s29 =	sshrl.u32 s26, $0x3  }
0x169: {  	[tilespmem:s9], [sflag:$0x1] =	stream.linear.gather [hbm4b:s25+s2], $0x400, $0x38;
	[tilespmem:$0x8080] =	vst v63  }
0x16a: {  	s28 =	rddreg [dreg:$0x14];
	s9 =	sadd.s32 s3, s29  }
0x16b: {  	[tilespmem:s28], [sflag:$0x1] =	stream.linear.gather [hbm4b:s9+s2], $0x400, $0x38;
	[tilespmem:$0x8080] =	vst v63  }
0x16c: {  	v63 =	vld [tilespmem:$0x10];
	_ =	sdelay $0x4  }
0x16d: {  	v0 =	vshll.u32 v63, $0xA  }
0x16e: {  	(v2sf) =	vpush v0, $0x2  }
0x16f: {  	(v2sf) =	vpush v0, $0x0  }
0x170: {  	(v2sf) =	vpush v0, $0x3;
	_ =	sdelay $0x1  }
0x171: {  	(v2sf) =	vpush v0, $0x1  }
0x172: {  	(v2sf) =	vpush v0, $0x4;
	_ =	sdelay $0x3  }
0x173: {  	(v2sf) =	vpush v0, $0x5;
	_ =	sdelay $0x1  }
0x174: {  	s31 =	rddreg [dreg:$0x15];
	(v2sf) =	vpush v0, $0x6  }
0x175: {  	s16 =	rddreg [dreg:$0x1c]  }
0x176: {  	s17 =	rddreg [dreg:$0x1b]  }
0x177: {  	s19 =	rddreg [dreg:$0x18]  }
0x178: {  	s20 =	rddreg [dreg:$0x17];
	s30 =	spop (v2sf)  }
0x179: {  	s29 =	rddreg [dreg:$0x16];
	s24 =	spop (v2sf)  }
0x17a: {  	s21 =	sand.u32 $0x7FFFE000, s30;
	s23 =	sand.u32 $0x7FFFE000, s24;
	s25 =	spop (v2sf)  }
0x17b: {  	s21 =	sor.u32 s6, s21;
	s23 =	sor.u32 s6, s23;
	s24 =	sand.u32 $0x7FFFE000, s25  }
0x17c: {  	(v2sf) =	vpush v0, $0x7;
	s26 =	spop (v2sf);
	s21 =	sshrl.u32 s21, $0x3;
	s23 =	sshrl.u32 s23, $0x3  }
0x17d: {  	s25 =	sand.u32 $0x7FFFE000, s26;
	s24 =	sor.u32 s6, s24;
	s30 =	spop (v2sf)  }
0x17e: {  	s21 =	sadd.s32 s3, s21;
	s23 =	sadd.s32 s3, s23;
	s25 =	sor.u32 s6, s25  }
0x17f: {  	(v2sf) =	vpush v0, $0x8;
	[tilespmem:s31], [sflag:$0x1] =	stream.linear.gather [hbm4b:s23+s2], $0x400, $0x38;
	[tilespmem:$0x8080] =	vst v63  }
0x180: {  	s24 =	sshrl.u32 s24, $0x3;
	s28 =	sshrl.u32 s25, $0x3;
	s25 =	sand.u32 $0x7FFFE000, s30  }
0x181: {  	(v2sf) =	vpush v0, $0x9;
	s31 =	spop (v2sf);
	s24 =	sadd.s32 s3, s24;
	s22 =	sadd.s32 s3, s28  }
0x182: {  	(v2sf) =	vpush v0, $0xA;
	[tilespmem:s29], [sflag:$0x1] =	stream.linear.gather [hbm4b:s22+s2], $0x400, $0x38;
	[tilespmem:$0x8080] =	vst v63  }
0x183: {  	s25 =	sor.u32 s6, s25;
	s26 =	sand.u32 $0x7FFFE000, s31;
	s31 =	spop (v2sf)  }
0x184: {  	[tilespmem:s20], [sflag:$0x1] =	stream.linear.gather [hbm4b:s21+s2], $0x400, $0x38;
	[tilespmem:$0x8080] =	vst v63  }
0x185: {  	(v2sf) =	vpush v0, $0xB;
	s28 =	sshrl.u32 s25, $0x3;
	s29 =	rddreg [dreg:$0x19];
	s30 =	sor.u32 s6, s26  }
0x186: {  	[tilespmem:s19], [sflag:$0x1] =	stream.linear.gather [hbm4b:s24+s2], $0x400, $0x38;
	[tilespmem:$0x8080] =	vst v63  }
0x187: {  	(v2sf) =	vpush v0, $0xC;
	s23 =	sadd.s32 s3, s28;
	s21 =	sshrl.u32 s30, $0x3;
	s24 =	sand.u32 $0x7FFFE000, s31  }
0x188: {  	[tilespmem:s29], [sflag:$0x1] =	stream.linear.gather [hbm4b:s23+s2], $0x400, $0x38;
	[tilespmem:$0x8080] =	vst v63  }
0x189: {  	s18 =	rddreg [dreg:$0x1a];
	s25 =	sadd.s32 s3, s21;
	s26 =	sor.u32 s6, s24  }
0x18a: {  	[tilespmem:s18], [sflag:$0x1] =	stream.linear.gather [hbm4b:s25+s2], $0x400, $0x38;
	[tilespmem:$0x8080] =	vst v63  }
0x18b: {  	s15 =	rddreg [dreg:$0x1d];
	s29 =	sshrl.u32 s26, $0x3;
	s28 =	spop (v2sf)  }
0x18c: {  	s14 =	rddreg [dreg:$0x1e];
	s18 =	sadd.s32 s3, s29;
	s30 =	sand.u32 $0x7FFFE000, s28  }
0x18d: {  	[tilespmem:s17], [sflag:$0x1] =	stream.linear.gather [hbm4b:s18+s2], $0x400, $0x38;
	[tilespmem:$0x8080] =	vst v63  }
0x18e: {  	s13 =	rddreg [dreg:$0x1f];
	(v2sf) =	vpush v0, $0xD;
	s31 =	spop (v2sf);
	s19 =	sor.u32 s6, s30  }
0x18f: {  	s12 =	sld [smem:$0x7F9];
	s20 =	sand.u32 $0x7FFFE000, s31;
	s19 =	sshrl.u32 s19, $0x3  }
0x190: {  	(v2sf) =	vpush v0, $0xE;
	s21 =	spop (v2sf);
	s20 =	sor.u32 s6, s20;
	s17 =	sadd.s32 s3, s19  }
0x191: {  	(v2sf) =	vpush v0, $0xF;
	s18 =	sshrl.u32 s20, $0x3;
	s19 =	sand.u32 $0x7FFFE000, s21;
	s24 =	spop (v2sf)  }
0x192: {  	[tilespmem:s16], [sflag:$0x1] =	stream.linear.gather [hbm4b:s17+s2], $0x400, $0x38;
	[tilespmem:$0x8080] =	vst v63  }
0x193: {  	s22 =	sadd.s32 s3, s18;
	s23 =	sor.u32 s6, s19;
	s26 =	sand.u32 $0x7FFFE000, s24  }
0x194: {  	s28 =	spop (v2sf);
	s25 =	sshrl.u32 s23, $0x3;
	s16 =	sor.u32 s6, s26  }
0x195: {  	[tilespmem:s15], [sflag:$0x1] =	stream.linear.gather [hbm4b:s22+s2], $0x400, $0x38;
	[tilespmem:$0x8080] =	vst v63  }
0x196: {  	s17 =	sand.u32 $0x7FFFE000, s28;
	s31 =	spop (v2sf);
	s15 =	sadd.s32 s3, s25  }
0x197: {  	s29 =	sshrl.u32 s16, $0x3;
	s30 =	sor.u32 s6, s17;
	s16 =	sand.u32 $0x7FFFE000, s31  }
0x198: {  	[tilespmem:s14], [sflag:$0x1] =	stream.linear.gather [hbm4b:s15+s2], $0x400, $0x38;
	[tilespmem:$0x8080] =	vst v63  }
0x199: {  	s18 =	sor.u32 s6, s16;
	s14 =	sadd.s32 s3, s29;
	s15 =	sshrl.u32 s30, $0x3  }
0x19a: {  	[tilespmem:s13], [sflag:$0x1] =	stream.linear.gather [hbm4b:s14+s2], $0x400, $0x38;
	[tilespmem:$0x8080] =	vst v63  }
0x19b: {  	s11 =	sld [smem:$0x7FA];
	s17 =	sadd.s32 s3, s15;
	s14 =	sshrl.u32 s18, $0x3  }
0x19c: {  	[tilespmem:s12], [sflag:$0x1] =	stream.linear.gather [hbm4b:s17+s2], $0x400, $0x38;
	[tilespmem:$0x8080] =	vst v63  }
0x19d: {  	s10 =	sld [smem:$0x7FB];
	s21 =	sadd.s32 s3, s14;
	s19 =	spop (v2sf)  }
0x19e: {  	[tilespmem:s11], [sflag:$0x1] =	stream.linear.gather [hbm4b:s21+s2], $0x400, $0x38;
	[tilespmem:$0x8080] =	vst v63  }
0x19f: {  	s9 =	sld [smem:$0x7FC];
	s15 =	sand.u32 $0x7FFFE000, s19;
	s20 =	spop (v2sf)  }
0x1a0: {  	s22 =	sor.u32 s6, s15;
	s23 =	sand.u32 $0x7FFFE000, s20;
	s24 =	spop (v2sf)  }
0x1a1: {  	s13 =	sshrl.u32 s22, $0x3;
	s14 =	sor.u32 s6, s23;
	s28 =	sand.u32 $0x7FFFE000, s24  }
0x1a2: {  	s25 =	sadd.s32 s3, s13;
	s26 =	sshrl.u32 s14, $0x3;
	s30 =	sor.u32 s6, s28  }
0x1a3: {  	[tilespmem:s10], [sflag:$0x1] =	stream.linear.gather [hbm4b:s25+s2], $0x400, $0x38;
	[tilespmem:$0x8080] =	vst v63  }
0x1a4: {  	s31 =	sld [smem:$0x7FD];
	s29 =	sadd.s32 s3, s26;
	s11 =	sshrl.u32 s30, $0x3  }
0x1a5: {  	[tilespmem:s9], [sflag:$0x1] =	stream.linear.gather [hbm4b:s29+s2], $0x400, $0x38;
	[tilespmem:$0x8080] =	vst v63  }
0x1a6: {  	s11 =	sadd.s32 s3, s11  }
0x1a7: {  	[tilespmem:s31], [sflag:$0x1] =	stream.linear.gather [hbm4b:s11+s2], $0x400, $0x38;
	[tilespmem:$0x8080] =	vst v63  }
0x1a8: {  	_ =	swait.ge [sflag:s7], $0x400  }
0x1a9: {  	[sflag:s7] =	ssyncset.done $0x0  }
0x1aa: {  	[sflag:s7] =	ssyncadd.s32 $0xFFFFFC00  }
0x1ab: {  	_ =	swait.ge [sflag:s7], $0x400  }
0x1ac: {  	[sflag:s7] =	ssyncset.done $0x0  }
0x1ad: {  	[sflag:s7] =	ssyncadd.s32 $0xFFFFFC00  }
0x1ae: {  	_ =	swait.ge [sflag:s7], $0x400  }
0x1af: {  	[sflag:s7] =	ssyncset.done $0x0  }
0x1b0: {  	[sflag:s7] =	ssyncadd.s32 $0xFFFFFC00  }
0x1b1: {  	_ =	swait.ge [sflag:s7], $0x400  }
0x1b2: {  	[sflag:s7] =	ssyncset.done $0x0  }
0x1b3: {  	[sflag:s7] =	ssyncadd.s32 $0xFFFFFC00  }
0x1b4: {  	_ =	swait.ge [sflag:s7], $0x400  }
0x1b5: {  	[sflag:s7] =	ssyncset.done $0x0  }
0x1b6: {  	[sflag:s7] =	ssyncadd.s32 $0xFFFFFC00  }
0x1b7: {  	_ =	swait.ge [sflag:s7], $0x400  }
0x1b8: {  	[sflag:s7] =	ssyncset.done $0x0  }
0x1b9: {  	[sflag:s7] =	ssyncadd.s32 $0xFFFFFC00  }
0x1ba: {  	_ =	swait.ge [sflag:s7], $0x400  }
0x1bb: {  	[sflag:s7] =	ssyncset.done $0x0  }
0x1bc: {  	[sflag:s7] =	ssyncadd.s32 $0xFFFFFC00  }
0x1bd: {  	_ =	swait.ge [sflag:s7], $0x400  }
0x1be: {  	[sflag:s7] =	ssyncset.done $0x0  }
0x1bf: {  	[sflag:s7] =	ssyncadd.s32 $0xFFFFFC00  }
0x1c0: {  	_ =	swait.ge [sflag:s7], $0x400  }
0x1c1: {  	[sflag:s7] =	ssyncset.done $0x0  }
0x1c2: {  	[sflag:s7] =	ssyncadd.s32 $0xFFFFFC00  }
0x1c3: {  	_ =	swait.ge [sflag:s7], $0x400  }
0x1c4: {  	[sflag:s7] =	ssyncset.done $0x0  }
0x1c5: {  	[sflag:s7] =	ssyncadd.s32 $0xFFFFFC00  }
0x1c6: {  	_ =	swait.ge [sflag:s7], $0x400  }
0x1c7: {  	[sflag:s7] =	ssyncset.done $0x0  }
0x1c8: {  	[sflag:s7] =	ssyncadd.s32 $0xFFFFFC00  }
0x1c9: {  	_ =	swait.ge [sflag:s7], $0x400  }
0x1ca: {  	[sflag:s7] =	ssyncset.done $0x0  }
0x1cb: {  	[sflag:s7] =	ssyncadd.s32 $0xFFFFFC00  }
0x1cc: {  	_ =	swait.ge [sflag:s7], $0x400  }
0x1cd: {  	[sflag:s7] =	ssyncset.done $0x0  }
0x1ce: {  	[sflag:s7] =	ssyncadd.s32 $0xFFFFFC00  }
0x1cf: {  	_ =	swait.ge [sflag:s7], $0x400  }
0x1d0: {  	[sflag:s7] =	ssyncset.done $0x0  }
0x1d1: {  	[sflag:s7] =	ssyncadd.s32 $0xFFFFFC00  }
0x1d2: {  	_ =	swait.ge [sflag:s7], $0x400  }
0x1d3: {  	[sflag:s7] =	ssyncset.done $0x0  }
0x1d4: {  	[sflag:s7] =	ssyncadd.s32 $0xFFFFFC00  }
0x1d5: {  	_ =	swait.ge [sflag:s7], $0x400  }
0x1d6: {  	[sflag:s7] =	ssyncset.done $0x0  }
0x1d7: {  	[sflag:s7] =	ssyncadd.s32 $0xFFFFFC00  }
0x1d8: {  	_ =	swait.ge [sflag:s7], $0x400  }
0x1d9: {  	[sflag:s7] =	ssyncset.done $0x0  }
0x1da: {  	[sflag:s7] =	ssyncadd.s32 $0xFFFFFC00  }
0x1db: {  	_ =	swait.ge [sflag:s7], $0x400  }
0x1dc: {  	[sflag:s7] =	ssyncset.done $0x0  }
0x1dd: {  	[sflag:s7] =	ssyncadd.s32 $0xFFFFFC00  }
0x1de: {  	_ =	swait.ge [sflag:s7], $0x400  }
0x1df: {  	[sflag:s7] =	ssyncset.done $0x0  }
0x1e0: {  	[sflag:s7] =	ssyncadd.s32 $0xFFFFFC00  }
0x1e1: {  	_ =	swait.ge [sflag:s7], $0x400  }
0x1e2: {  	[sflag:s7] =	ssyncset.done $0x0  }
0x1e3: {  	[sflag:s7] =	ssyncadd.s32 $0xFFFFFC00  }
0x1e4: {  	_ =	swait.ge [sflag:s7], $0x400  }
0x1e5: {  	[sflag:s7] =	ssyncset.done $0x0  }
0x1e6: {  	[sflag:s7] =	ssyncadd.s32 $0xFFFFFC00  }
0x1e7: {  	_ =	swait.ge [sflag:s7], $0x400  }
0x1e8: {  	[sflag:s7] =	ssyncset.done $0x0  }
0x1e9: {  	[sflag:s7] =	ssyncadd.s32 $0xFFFFFC00  }
0x1ea: {  	_ =	swait.ge [sflag:s7], $0x400  }
0x1eb: {  	[sflag:s7] =	ssyncset.done $0x0  }
0x1ec: {  	[sflag:s7] =	ssyncadd.s32 $0xFFFFFC00  }
0x1ed: {  	_ =	swait.ge [sflag:s7], $0x400  }
0x1ee: {  	[sflag:s7] =	ssyncset.done $0x0  }
0x1ef: {  	[sflag:s7] =	ssyncadd.s32 $0xFFFFFC00  }
0x1f0: {  	_ =	swait.ge [sflag:s7], $0x400  }
0x1f1: {  	p0 =	sne.s32 s8, $0x1;
	[sflag:s7] =	ssyncset.done $0x0  }
.Ltmp1:
0x1f2: {  	[sflag:s7] =	ssyncadd.s32 $0xFFFFFC00;
	(pc) =	sbr.rel @p0 .LBB2_1-.Ltmp1, $4  }
0x1f3: {  	_ =	swait.ge [sflag:s7], $0x400  }
0x1f4: {  	[sflag:s7] =	ssyncset.done $0x0  }
0x1f5: {  	[sflag:s7] =	ssyncadd.s32 $0xFFFFFC00  }
0x1f6: {  	s8 =	sadd.s32 $0xFFFFFFFF, s8;
	_ =	swait.ge [sflag:s7], $0x400  }
.LBB2_2:
0x1f7: {  	[sflag:s7] =	ssyncset.done $0x0  }
0x1f8: {  	[sflag:s7] =	ssyncadd.s32 $0xFFFFFC00  }
0x1f9: {  	_ =	swait.ge [sflag:s7], $0x400  }
0x1fa: {  	[sflag:s7] =	ssyncset.done $0x0  }
0x1fb: {  	[sflag:s7] =	ssyncadd.s32 $0xFFFFFC00  }
0x1fc: {  	_ =	swait.ge [sflag:s7], $0x400  }
0x1fd: {  	[sflag:s7] =	ssyncset.done $0x0  }
0x1fe: {  	[sflag:s7] =	ssyncadd.s32 $0xFFFFFC00  }
0x1ff: {  	_ =	swait.ge [sflag:s7], $0x400  }
0x200: {  	[sflag:s7] =	ssyncset.done $0x0  }
0x201: {  	[sflag:s7] =	ssyncadd.s32 $0xFFFFFC00  }
0x202: {  	_ =	swait.ge [sflag:s7], $0x400  }
0x203: {  	[sflag:s7] =	ssyncset.done $0x0  }
0x204: {  	[sflag:s7] =	ssyncadd.s32 $0xFFFFFC00  }
0x205: {  	_ =	swait.ge [sflag:s7], $0x400  }
0x206: {  	[sflag:s7] =	ssyncset.done $0x0  }
0x207: {  	s3 =	rddreg [dreg:$0x5];
	[sflag:s7] =	ssyncadd.s32 $0xFFFFFC00  }
0x208: {  	[hbm4b:s3+s2] =	stream.linear.scatter [tilespmem:s5], [sflag:$0x2], $0x8000, $0x38;
	[tilespmem:$0x8080] =	vst v63  }
0x209: {  	_ =	swait.ge [sflag:s4], $0x8000  }
0x20a: {  	[sflag:s4] =	ssyncset.done $0x0  }
0x20b: {  	[sflag:s4] =	ssyncadd.s32 $0xFFFF8000  }
0x20c: {  	_ =	sfence.sel $0x180000  }
0x20d: {  	[bflag:$0x0] =	sbarrier.arrive $0xFFFF  }
0x20e: {  	p0 =	sne.s32 s0, $0x0;
	_ =	strace $0x90000047  }
0x20f: {  	s0 =	sadd.s32 @!p0 $0x100000, s1;
	[bflag:$0x2] =	sbarrier.arrive $0xFFFF  }
0x210: {  	[sflag:s0] =	ssyncadd.tile.s32 @!p0 $0x1;
	_ =	shalt  }
.Lfunc_end2:
_tile_overlayer_lowered:
.L_overlay_start_2:
0x211: {  	(tag) =	ssettag $0x2  }
0x212: {  	s0 =	rddreg [dreg:$0x0];
	s2 =	stileid.u32  }
0x213: {  	s1 =	rddreg [dreg:$0x1];
	p0 =	sne.s32 s2, $0x0  }
0x214: {  	s3 =	rddreg [dreg:$0x2];
	[bflag:$0x3] =	sbarrier.arrive $0xFFFF;
	s2 =	simm.s32 @!p0 $0x1C02  }
0x215: {  	[timem:s3], [sflag:s2] =	dma.local @!p0 [hbm:s0], s1  }
0x216: {  	s0 =	simm.s32 @!p0 $0x2  }
0x217: {  	_ =	swait.ge @!p0 [sflag:s0], s1  }
0x218: {  	s1 =	ssub.s32 @!p0 $0x0, s1;
	[sflag:s0] =	ssyncset.done @!p0 $0x0  }
0x219: {  	[sflag:s0] =	ssyncadd.s32 @!p0 s1  }
0x21a: {  	[bflag:$0x3] =	sbarrier.arrive $0xFFFF  }
0x21b: {  	_ =	shalt  }

</sc_bundles>
